<compile_context>
chip_gen: v7x
topology: tpu7x:2x2x1
jax: 0.10.2.dev20260603
libtpu: 0.0.44.dev20260713+nightly
codegen_flags: <defaults>
</compile_context>

<pallas_src>
import functools

import jax
import jax.numpy as jnp
from jax import lax
from jax.experimental import pallas as pl
from jax.experimental.pallas import tpu as pltpu
from jax.experimental.pallas import tpu_sc as plsc

N = 4096
D = 768
E = 64
FF = 3072
CAP = 64
TRASH = E * CAP
NS = E * CAP + CAP
TB = 512
NTB = N // TB

NUM_SC = 2
NUM_SUBCORES = 16
NW = NUM_SC * NUM_SUBCORES
TPW = N // NW



def _router_body(x_ref, nz_ref, wc_ref, bc_ref, dest_ref, off_ref):
    i = pl.program_id(0)

    @pl.when(i == 0)
    def _():
        off_ref[...] = jnp.zeros_like(off_ref)

    xb = x_ref[...]
    ln = jnp.dot(xb, wc_ref[...], preferred_element_type=jnp.float32)
    ln = ln + bc_ref[...]
    logits = ln[:, :E]
    nlogits = ln[:, E:]
    noisy = logits + nz_ref[...] * jax.nn.softplus(nlogits)

    m = jnp.max(noisy, axis=1, keepdims=True)
    ii = lax.broadcasted_iota(jnp.int32, (TB, E), 1)
    e = jnp.min(jnp.where(noisy == m, ii, E), axis=1, keepdims=True)
    onehot = (ii == e).astype(jnp.float32)

    i0 = lax.broadcasted_iota(jnp.int32, (TB, TB), 0)
    i1 = lax.broadcasted_iota(jnp.int32, (TB, TB), 1)
    tril = (i0 >= i1).astype(jnp.bfloat16)
    cs = jnp.dot(tril, onehot.astype(jnp.bfloat16),
                 preferred_element_type=jnp.float32)
    excl = cs - onehot + off_ref[...]
    r = jnp.sum(excl * onehot, axis=1, keepdims=True).astype(jnp.int32)
    gi = i * TB + lax.broadcasted_iota(jnp.int32, (TB, 1), 0)
    dest_ref[...] = jnp.where(r < CAP, e * CAP + r, TRASH + gi // TPW)
    off_ref[...] = off_ref[...] + cs[TB - 1:TB, :]


def _router(x2, nz2, wc, bc):
    return pl.pallas_call(
        _router_body,
        grid=(NTB,),
        in_specs=[
            pl.BlockSpec((TB, D), lambda i: (i, 0)),
            pl.BlockSpec((TB, E), lambda i: (i, 0)),
            pl.BlockSpec((D, 2 * E), lambda i: (0, 0)),
            pl.BlockSpec((1, 2 * E), lambda i: (0, 0)),
        ],
        out_specs=pl.BlockSpec((TB, 1), lambda i: (i, 0)),
        out_shape=jax.ShapeDtypeStruct((N, 1), jnp.int32),
        scratch_shapes=[pltpu.VMEM((1, E), jnp.float32)],
    )(x2, nz2, wc, bc)



NF = 2
FC = FF // NF


def _ffn_body(xs_ref, w1_ref, b1_ref, w2_ref, b2_ref, ys_ref, acc_ref):
    e = pl.program_id(0)
    f = pl.program_id(1)

    @pl.when(e < E)
    def _():
        h = jnp.dot(xs_ref[...], w1_ref[0],
                    preferred_element_type=jnp.float32) + b1_ref[0]
        h = jnp.maximum(h, 0.0)
        part = jnp.dot(h, w2_ref[0], preferred_element_type=jnp.float32)

        @pl.when(f == 0)
        def _():
            acc_ref[...] = part + b2_ref[0]

        @pl.when(f > 0)
        def _():
            acc_ref[...] = acc_ref[...] + part

        @pl.when(f == NF - 1)
        def _():
            ys_ref[...] = acc_ref[...]

    @pl.when(e == E)
    def _():
        ys_ref[...] = jnp.zeros_like(ys_ref)


def _ffn(xs, W1, b1r, W2, b2r):
    ce = lambda e: jnp.minimum(e, E - 1)
    return pl.pallas_call(
        _ffn_body,
        grid=(E + 1, NF),
        in_specs=[
            pl.BlockSpec((CAP, D), lambda e, f: (e, 0)),
            pl.BlockSpec((1, D, FC), lambda e, f: (ce(e), 0, f)),
            pl.BlockSpec((1, 1, FC), lambda e, f: (ce(e), 0, f)),
            pl.BlockSpec((1, FC, D), lambda e, f: (ce(e), f, 0)),
            pl.BlockSpec((1, 1, D), lambda e, f: (ce(e), 0, 0)),
        ],
        out_specs=pl.BlockSpec((CAP, D), lambda e, f: (e, 0)),
        out_shape=jax.ShapeDtypeStruct((NS, D), jnp.float32),
        scratch_shapes=[pltpu.VMEM((CAP, D), jnp.float32)],
    )(xs, W1, b1r, W2, b2r)



@functools.lru_cache(maxsize=1)
def _sc_kernels():
    mesh = plsc.VectorSubcoreMesh(
        core_axis_name="c", subcore_axis_name="s", num_cores=NUM_SC)
    scratch = [
        pltpu.VMEM((TPW,), jnp.int32),
        pltpu.VMEM((TPW, D), jnp.float32),
        pltpu.SemaphoreType.DMA,
    ]
    scratch2 = scratch + [pltpu.SemaphoreType.DMA]

    @functools.partial(
        pl.kernel, mesh=mesh,
        out_type=jax.ShapeDtypeStruct((NS, D), jnp.float32),
        scratch_types=scratch2,
    )
    def sc_scatter(x_hbm, dest_hbm, xs_hbm, idx_v, rows_v, sem, sem2):
        wid = lax.axis_index("s") * NUM_SC + lax.axis_index("c")
        base = wid * TPW
        c1 = pltpu.async_copy(dest_hbm.at[pl.ds(base, TPW)], idx_v, sem2)
        c2 = pltpu.async_copy(x_hbm.at[pl.ds(base, TPW)], rows_v, sem)
        c1.wait()
        c2.wait()
        pltpu.async_copy(rows_v, xs_hbm.at[idx_v], sem).wait()

    @functools.partial(
        pl.kernel, mesh=mesh,
        out_type=jax.ShapeDtypeStruct((N, D), jnp.float32),
        scratch_types=scratch,
    )
    def sc_gather(ys_hbm, dest_hbm, out_hbm, idx_v, rows_v, sem):
        wid = lax.axis_index("s") * NUM_SC + lax.axis_index("c")
        base = wid * TPW
        pltpu.sync_copy(dest_hbm.at[pl.ds(base, TPW)], idx_v)
        pltpu.async_copy(ys_hbm.at[idx_v], rows_v, sem).wait()
        pltpu.sync_copy(rows_v, out_hbm.at[pl.ds(base, TPW)])

    return sc_scatter, sc_gather



def kernel(x, noise_raw, W_route, b_route, W_noise, b_noise, W1, b1, W2, b2):
    B, T, _ = x.shape
    x2 = x.reshape(N, D)
    nz2 = noise_raw.reshape(N, E)
    sc_scatter, sc_gather = _sc_kernels()
    wc = jnp.concatenate([W_route, W_noise], axis=1)
    bc = jnp.concatenate([b_route, b_noise]).reshape(1, 2 * E)
    dest = _router(x2, nz2, wc, bc).reshape(N)
    xs = sc_scatter(x2, dest)
    ys = _ffn(xs, W1, b1.reshape(E, 1, FF), W2, b2.reshape(E, 1, D))
    out = sc_gather(ys, dest)
    return out.reshape(B, T, D)

# --- scband reference (transcript-rebuilt; emitter-appended) ---
"""Pipeline reference for scband-sparse-mo-elanguage-model-24584392802743 (READ-ONLY COPY).

The authoritative reference and input builder live on the scoring server;
editing this copy changes nothing except your own understanding.
"""

import jax, jax.numpy as jnp
import numpy as np

B, T, D = 2, 2048, 768
E, TOPK = 64, 1
FF = 4 * D
CAP = int(B * T * TOPK / E * 1.0)


def setup_inputs(seed: int = 0) -> dict:
    key = jax.random.key(seed)
    ks = jax.random.split(key, 10)
    s = 1.0 / np.sqrt(D)
    return {
        "x": jax.random.normal(ks[0], (B, T, D), dtype=jnp.float32),
        "noise_raw": jax.random.normal(ks[1], (B, T, E), dtype=jnp.float32),
        "W_route": jax.random.normal(ks[2], (D, E), dtype=jnp.float32) * s,
        "b_route": jnp.zeros((E,), jnp.float32),
        "W_noise": jax.random.normal(ks[3], (D, E), dtype=jnp.float32) * s,
        "b_noise": jnp.zeros((E,), jnp.float32),
        "W1": jax.random.normal(ks[4], (E, D, FF), dtype=jnp.float32) * s,
        "b1": jnp.zeros((E, FF), jnp.float32),
        "W2": jax.random.normal(ks[5], (E, FF, D), dtype=jnp.float32) * (1.0 / np.sqrt(FF)),
        "b2": jnp.zeros((E, D), jnp.float32),
    }


def reference(x, noise_raw, W_route, b_route, W_noise, b_noise, W1, b1, W2, b2):
    # NoisyTopkRouter
    logits = x @ W_route + b_route
    noise_logits = x @ W_noise + b_noise
    noisy = logits + noise_raw * jax.nn.softplus(noise_logits)
    top_v, top_i = jax.lax.top_k(noisy, TOPK)
    # scatter top-k logits into -inf background, then softmax -> sparse gates
    mask = jax.nn.one_hot(top_i, E, dtype=jnp.float32).sum(axis=-2) > 0
    sparse_logits = jnp.where(mask, noisy, -jnp.inf)
    router = jax.nn.softmax(sparse_logits, axis=-1)
    # SparseMoE dispatch with expert capacity (= B*T*top_k/E * capacity_factor)
    flat_x = x.reshape(-1, D)
    flat_r = router.reshape(-1, E)
    flat_i = top_i.reshape(-1, TOPK)
    updates = jnp.zeros_like(flat_x)
    ar = jnp.arange(CAP)

    def body(updates, e):
        em = jnp.any(flat_i == e, axis=-1)
        # first-come-first-served capacity truncation (ascending token index, like torch.nonzero[:cap])
        sel = jnp.nonzero(em, size=CAP, fill_value=0)[0]
        valid = (ar < em.sum()).astype(x.dtype)
        xs = jnp.take(flat_x, sel, axis=0)
        h = jax.nn.relu(xs @ W1[e] + b1[e])
        out = h @ W2[e] + b2[e]
        gate = flat_r[sel, e] * valid
        updates = updates.at[sel].add(out * gate[:, None])
        return updates, None

    updates, _ = jax.lax.scan(body, updates, jnp.arange(E))
    return updates.reshape(B, T, D)

if __name__ == "__main__":
    import jax
    _d = setup_inputs()
    print(jax.jit(kernel)(*tuple(_d.values())))

</pallas_src>

<mosaic_0001>
#map = affine_map<(d0, d1) -> (0, 0)>
#map1 = affine_map<(d0, d1) -> (0)>
module attributes {stable_mosaic.version = 14 : i64} {
  func.func @sc_scatter(%arg0: i32, %arg1: i32, %arg2: memref<4096x768xf32, #tpu.memory_space<hbm>>, %arg3: memref<4096xi32, #tpu.memory_space<hbm>>, %arg4: memref<4160x768xf32, #tpu.memory_space<hbm>>, %arg5: memref<128xi32, #tpu.memory_space<vmem>>, %arg6: memref<128x768xf32, #tpu.memory_space<vmem>>, %arg7: memref<!tpu.dma_semaphore, #tpu.memory_space<semaphore_mem>>, %arg8: memref<!tpu.dma_semaphore, #tpu.memory_space<semaphore_mem>>) attributes {dimension_semantics = [#tpu.dimension_semantics<core_parallel>, #tpu.dimension_semantics<subcore_parallel>], iteration_bounds = array<i64: 2, 16>, scalar_prefetch = 0 : i64, scratch_operands = 4 : i64, tpu.core_type = #tpu.core_type<sc_vector_subcore>, window_params = [{transform_indices = #map}, {transform_indices = #map1}, {transform_indices = #map}]} {
    %mul3A = arith.constant 2 : i32
    %mul3A_0 = arith.muli %arg1, %mul3A : i32
    %add3A = arith.addi %mul3A_0, %arg0 : i32
    %mul3A_1 = arith.constant 128 : i32
    %mul3A_2 = arith.muli %add3A, %mul3A_1 : i32
    %dma_start3A = tpu.memref_slice %arg3[%mul3A_2] : memref<4096xi32, #tpu.memory_space<hbm>> -> memref<128xi32, #tpu.memory_space<hbm>>
    %dma_start3A_3 = tpu.memref_slice %arg3[%mul3A_2] : memref<4096xi32, #tpu.memory_space<hbm>> -> memref<128xi32, #tpu.memory_space<hbm>>
    tpu.enqueue_dma source(%dma_start3A_3 : memref<128xi32, #tpu.memory_space<hbm>>) target(%arg5 : memref<128xi32, #tpu.memory_space<vmem>>) target_semaphore(%arg8 : memref<!tpu.dma_semaphore, #tpu.memory_space<semaphore_mem>>)
    %dma_start3A_4 = arith.constant 0 : i32
    %dma_start3A_5 = tpu.memref_slice %arg2[%mul3A_2, %dma_start3A_4] : memref<4096x768xf32, #tpu.memory_space<hbm>> -> memref<128x768xf32, #tpu.memory_space<hbm>>
    %dma_start3A_6 = arith.constant 0 : i32
    %dma_start3A_7 = tpu.memref_slice %arg2[%mul3A_2, %dma_start3A_6] : memref<4096x768xf32, #tpu.memory_space<hbm>> -> memref<128x768xf32, #tpu.memory_space<hbm>>
    tpu.enqueue_dma source(%dma_start3A_7 : memref<128x768xf32, #tpu.memory_space<hbm>>) target(%arg6 : memref<128x768xf32, #tpu.memory_space<vmem>>) target_semaphore(%arg7 : memref<!tpu.dma_semaphore, #tpu.memory_space<semaphore_mem>>)
    %dma_wait3A = tpu.memref_slice %arg3[%mul3A_2] : memref<4096xi32, #tpu.memory_space<hbm>> -> memref<128xi32, #tpu.memory_space<hbm>>
    %dma_wait3A_8 = tpu.memref_slice %arg3[%mul3A_2] : memref<4096xi32, #tpu.memory_space<hbm>> -> memref<128xi32, #tpu.memory_space<hbm>>
    tpu.wait_dma2 semaphore(%arg8 : memref<!tpu.dma_semaphore, #tpu.memory_space<semaphore_mem>>) src(%dma_wait3A_8 : memref<128xi32, #tpu.memory_space<hbm>>) dst(%arg5 : memref<128xi32, #tpu.memory_space<vmem>>)
    %dma_wait3A_9 = arith.constant 0 : i32
    %dma_wait3A_10 = tpu.memref_slice %arg2[%mul3A_2, %dma_wait3A_9] : memref<4096x768xf32, #tpu.memory_space<hbm>> -> memref<128x768xf32, #tpu.memory_space<hbm>>
    %dma_wait3A_11 = arith.constant 0 : i32
    %dma_wait3A_12 = tpu.memref_slice %arg2[%mul3A_2, %dma_wait3A_11] : memref<4096x768xf32, #tpu.memory_space<hbm>> -> memref<128x768xf32, #tpu.memory_space<hbm>>
    tpu.wait_dma2 semaphore(%arg7 : memref<!tpu.dma_semaphore, #tpu.memory_space<semaphore_mem>>) src(%dma_wait3A_12 : memref<128x768xf32, #tpu.memory_space<hbm>>) dst(%arg6 : memref<128x768xf32, #tpu.memory_space<vmem>>)
    %dma_start3A_13 = arith.constant 0 : i32
    %dma_start3A_14 = arith.constant 0 : i32
    %dma_start3A_15 = tpu.memref_slice %arg4[%dma_start3A_13, %dma_start3A_14] : memref<4160x768xf32, #tpu.memory_space<hbm>> -> memref<4160x768xf32, #tpu.memory_space<hbm>>
    tpu.enqueue_indirect_dma source(%arg6 : memref<128x768xf32, #tpu.memory_space<vmem>>) target(%dma_start3A_15 : memref<4160x768xf32, #tpu.memory_space<hbm>>) offsets(%arg5 : memref<128xi32, #tpu.memory_space<vmem>>) semaphore(%arg7 : memref<!tpu.dma_semaphore, #tpu.memory_space<semaphore_mem>>)
    %dma_wait3A_16 = arith.constant 0 : i32
    %dma_wait3A_17 = arith.constant 0 : i32
    %dma_wait3A_18 = tpu.memref_slice %arg4[%dma_wait3A_16, %dma_wait3A_17] : memref<4160x768xf32, #tpu.memory_space<hbm>> -> memref<4160x768xf32, #tpu.memory_space<hbm>>
    tpu.wait_indirect_dma semaphore(%arg7 : memref<!tpu.dma_semaphore, #tpu.memory_space<semaphore_mem>>) src(%arg6 : memref<128x768xf32, #tpu.memory_space<vmem>>) dst(%dma_wait3A_18 : memref<4160x768xf32, #tpu.memory_space<hbm>>)
    return
  }
}

#map = affine_map<(d0, d1) -> (0, 0)>
#map1 = affine_map<(d0, d1) -> (0)>
module attributes {stable_mosaic.version = 14 : i64} {
  func.func @sc_gather(%arg0: i32, %arg1: i32, %arg2: memref<4160x768xf32, #tpu.memory_space<hbm>>, %arg3: memref<4096xi32, #tpu.memory_space<hbm>>, %arg4: memref<4096x768xf32, #tpu.memory_space<hbm>>, %arg5: memref<128xi32, #tpu.memory_space<vmem>>, %arg6: memref<128x768xf32, #tpu.memory_space<vmem>>, %arg7: memref<!tpu.dma_semaphore, #tpu.memory_space<semaphore_mem>>) attributes {dimension_semantics = [#tpu.dimension_semantics<core_parallel>, #tpu.dimension_semantics<subcore_parallel>], iteration_bounds = array<i64: 2, 16>, scalar_prefetch = 0 : i64, scratch_operands = 3 : i64, tpu.core_type = #tpu.core_type<sc_vector_subcore>, window_params = [{transform_indices = #map}, {transform_indices = #map1}, {transform_indices = #map}]} {
    %mul3A = arith.constant 2 : i32
    %mul3A_0 = arith.muli %arg1, %mul3A : i32
    %add3A = arith.addi %mul3A_0, %arg0 : i32
    %mul3A_1 = arith.constant 128 : i32
    %mul3A_2 = arith.muli %add3A, %mul3A_1 : i32
    "tpu.region"() ({
      %run_scoped3A = tpu.sem_alloc : memref<!tpu.dma_semaphore, #tpu.memory_space<semaphore_mem>>
      %dma_start3A_7 = tpu.memref_slice %arg3[%mul3A_2] : memref<4096xi32, #tpu.memory_space<hbm>> -> memref<128xi32, #tpu.memory_space<hbm>>
      %dma_start3A_8 = tpu.memref_slice %arg3[%mul3A_2] : memref<4096xi32, #tpu.memory_space<hbm>> -> memref<128xi32, #tpu.memory_space<hbm>>
      tpu.enqueue_dma source(%dma_start3A_8 : memref<128xi32, #tpu.memory_space<hbm>>) target(%arg5 : memref<128xi32, #tpu.memory_space<vmem>>) target_semaphore(%run_scoped3A : memref<!tpu.dma_semaphore, #tpu.memory_space<semaphore_mem>>)
      %dma_wait3A_9 = tpu.memref_slice %arg3[%mul3A_2] : memref<4096xi32, #tpu.memory_space<hbm>> -> memref<128xi32, #tpu.memory_space<hbm>>
      %dma_wait3A_10 = tpu.memref_slice %arg3[%mul3A_2] : memref<4096xi32, #tpu.memory_space<hbm>> -> memref<128xi32, #tpu.memory_space<hbm>>
      tpu.wait_dma2 semaphore(%run_scoped3A : memref<!tpu.dma_semaphore, #tpu.memory_space<semaphore_mem>>) src(%dma_wait3A_10 : memref<128xi32, #tpu.memory_space<hbm>>) dst(%arg5 : memref<128xi32, #tpu.memory_space<vmem>>)
      tpu.yield
    }) : () -> ()
    %dma_start3A = arith.constant 0 : i32
    %dma_start3A_3 = arith.constant 0 : i32
    %dma_start3A_4 = tpu.memref_slice %arg2[%dma_start3A, %dma_start3A_3] : memref<4160x768xf32, #tpu.memory_space<hbm>> -> memref<4160x768xf32, #tpu.memory_space<hbm>>
    tpu.enqueue_indirect_dma source(%dma_start3A_4 : memref<4160x768xf32, #tpu.memory_space<hbm>>) target(%arg6 : memref<128x768xf32, #tpu.memory_space<vmem>>) offsets(%arg5 : memref<128xi32, #tpu.memory_space<vmem>>) semaphore(%arg7 : memref<!tpu.dma_semaphore, #tpu.memory_space<semaphore_mem>>)
    %dma_wait3A = arith.constant 0 : i32
    %dma_wait3A_5 = arith.constant 0 : i32
    %dma_wait3A_6 = tpu.memref_slice %arg2[%dma_wait3A, %dma_wait3A_5] : memref<4160x768xf32, #tpu.memory_space<hbm>> -> memref<4160x768xf32, #tpu.memory_space<hbm>>
    tpu.wait_indirect_dma semaphore(%arg7 : memref<!tpu.dma_semaphore, #tpu.memory_space<semaphore_mem>>) src(%dma_wait3A_6 : memref<4160x768xf32, #tpu.memory_space<hbm>>) dst(%arg6 : memref<128x768xf32, #tpu.memory_space<vmem>>)
    "tpu.region"() ({
      %run_scoped3A = tpu.sem_alloc : memref<!tpu.dma_semaphore, #tpu.memory_space<semaphore_mem>>
      %dma_start3A_7 = arith.constant 0 : i32
      %dma_start3A_8 = tpu.memref_slice %arg4[%mul3A_2, %dma_start3A_7] : memref<4096x768xf32, #tpu.memory_space<hbm>> -> memref<128x768xf32, #tpu.memory_space<hbm>>
      %dma_start3A_9 = arith.constant 0 : i32
      %dma_start3A_10 = tpu.memref_slice %arg4[%mul3A_2, %dma_start3A_9] : memref<4096x768xf32, #tpu.memory_space<hbm>> -> memref<128x768xf32, #tpu.memory_space<hbm>>
      tpu.enqueue_dma source(%arg6 : memref<128x768xf32, #tpu.memory_space<vmem>>) target(%dma_start3A_10 : memref<128x768xf32, #tpu.memory_space<hbm>>) target_semaphore(%run_scoped3A : memref<!tpu.dma_semaphore, #tpu.memory_space<semaphore_mem>>)
      %dma_wait3A_11 = arith.constant 0 : i32
      %dma_wait3A_12 = tpu.memref_slice %arg4[%mul3A_2, %dma_wait3A_11] : memref<4096x768xf32, #tpu.memory_space<hbm>> -> memref<128x768xf32, #tpu.memory_space<hbm>>
      %dma_wait3A_13 = arith.constant 0 : i32
      %dma_wait3A_14 = tpu.memref_slice %arg4[%mul3A_2, %dma_wait3A_13] : memref<4096x768xf32, #tpu.memory_space<hbm>> -> memref<128x768xf32, #tpu.memory_space<hbm>>
      tpu.wait_dma2 semaphore(%run_scoped3A : memref<!tpu.dma_semaphore, #tpu.memory_space<semaphore_mem>>) src(%arg6 : memref<128x768xf32, #tpu.memory_space<vmem>>) dst(%dma_wait3A_14 : memref<128x768xf32, #tpu.memory_space<hbm>>)
      tpu.yield
    }) : () -> ()
    return
  }
}

module attributes {stable_mosaic.version = 14 : i64} {
  func.func @_router_body(%arg0: i32, %arg1: memref<512x768xf32, #tpu.memory_space<vmem>>, %arg2: memref<512x64xf32, #tpu.memory_space<vmem>>, %arg3: memref<768x128xf32, #tpu.memory_space<vmem>>, %arg4: memref<1x128xf32, #tpu.memory_space<vmem>>, %arg5: memref<512x1xi32, #tpu.memory_space<vmem>>, %arg6: memref<1x64xf32, #tpu.memory_space<vmem>>) attributes {dimension_semantics = [#tpu.dimension_semantics<arbitrary>], iteration_bounds = array<i64: 8>, scalar_prefetch = 0 : i64, scratch_operands = 1 : i64, tpu.core_type = #tpu.core_type<tc>, window_params = [{transform_indices = @transform_0, window_bounds = array<i64: 512, 768>}, {transform_indices = @transform_1, window_bounds = array<i64: 512, 64>}, {pipeline_mode = #tpu.pipeline_mode<synchronous>, transform_indices = @transform_2, window_bounds = array<i64: 768, 128>}, {pipeline_mode = #tpu.pipeline_mode<synchronous>, transform_indices = @transform_3, window_bounds = array<i64: 1, 128>}, {transform_indices = @transform_4, window_bounds = array<i64: 512, 1>}]} {
    %eq3A = arith.constant 0 : i32
    %eq3A_0 = arith.cmpi eq, %arg0, %eq3A : i32
    %convert_element_type3A = arith.extui %eq3A_0 : i1 to i32
    %cond3A = arith.constant 0 : i32
    %cond3A_1 = arith.cmpi ne, %convert_element_type3A, %cond3A : i32
    scf.if %cond3A_1 {
      %broadcast_in_dim3A_105 = arith.constant 0.000000e+00 : f32
      %broadcast_in_dim3A_106 = vector.broadcast %broadcast_in_dim3A_105 : f32 to vector<1x64xf32>
      %swap3A_107 = arith.constant 0 : index
      %swap3A_108 = arith.constant 0 : index
      %swap3A_109 = vector.load %arg6[%swap3A_107, %swap3A_108] : memref<1x64xf32, #tpu.memory_space<vmem>>, vector<1x64xf32>
      tpu.vector_store %arg6[%swap3A_107, %swap3A_108], %broadcast_in_dim3A_106 {strides = array<i32>} : memref<1x64xf32, #tpu.memory_space<vmem>>, vector<1x64xf32>,
    } else {
    }
    %get3A = arith.constant 0 : index
    %get3A_2 = arith.constant 0 : index
    %get3A_3 = vector.load %arg1[%get3A, %get3A_2] : memref<512x768xf32, #tpu.memory_space<vmem>>, vector<512x768xf32>
    %get3A_4 = arith.constant 0 : index
    %get3A_5 = arith.constant 0 : index
    %get3A_6 = vector.load %arg3[%get3A_4, %get3A_5] : memref<768x128xf32, #tpu.memory_space<vmem>>, vector<768x128xf32>
    %dot_general3A = arith.constant dense<0.000000e+00> : vector<512x128xf32>
    %dot_general3A_7 = tpu.matmul %get3A_3, %get3A_6, %dot_general3A {dimension_numbers = #tpu.dot_dimension_numbers<[1], [0], [0], [1], [0, 0, 1, 1], [], []>, transpose_lhs_hint = false} : vector<512x768xf32>, vector<768x128xf32>, vector<512x128xf32> -> vector<512x128xf32>
    %get3A_8 = arith.constant 0 : index
    %get3A_9 = arith.constant 0 : index
    %get3A_10 = vector.load %arg4[%get3A_8, %get3A_9] : memref<1x128xf32, #tpu.memory_space<vmem>>, vector<1x128xf32>
    %add3A = vector.broadcast %get3A_10 : vector<1x128xf32> to vector<512x128xf32>
    %add3A_11 = arith.addf %dot_general3A_7, %add3A : vector<512x128xf32>
    %slice3A = vector.extract_strided_slice %add3A_11 {offsets = [0, 0], sizes = [512, 64], strides = [1, 1]} : vector<512x128xf32> to vector<512x64xf32>
    %slice3A_12 = vector.extract_strided_slice %add3A_11 {offsets = [0, 64], sizes = [512, 64], strides = [1, 1]} : vector<512x128xf32> to vector<512x64xf32>
    %get3A_13 = arith.constant 0 : index
    %get3A_14 = arith.constant 0 : index
    %get3A_15 = vector.load %arg2[%get3A_13, %get3A_14] : memref<512x64xf32, #tpu.memory_space<vmem>>, vector<512x64xf32>
    %custom_jvp_call3A = arith.constant 0.000000e+00 : f32
    %max3A = vector.broadcast %custom_jvp_call3A : f32 to vector<512x64xf32>
    %max3A_16 = arith.maximumf %slice3A_12, %max3A : vector<512x64xf32>
    %sub3A = vector.broadcast %custom_jvp_call3A : f32 to vector<512x64xf32>
    %sub3A_17 = arith.subf %slice3A_12, %sub3A : vector<512x64xf32>
    %ne3A = arith.cmpf one, %sub3A_17, %sub3A_17 : vector<512x64xf32>
    %add3A_18 = vector.broadcast %custom_jvp_call3A : f32 to vector<512x64xf32>
    %add3A_19 = arith.addf %slice3A_12, %add3A_18 : vector<512x64xf32>
    %abs3A = math.absf %sub3A_17 : vector<512x64xf32>
    %neg3A = arith.constant 0.000000e+00 : f32
    %neg3A_20 = vector.broadcast %neg3A : f32 to vector<512x64xf32>
    %neg3A_21 = arith.subf %neg3A_20, %abs3A : vector<512x64xf32>
    %exp3A = math.exp %neg3A_21 : vector<512x64xf32>
    %log1p3A = math.log1p %exp3A : vector<512x64xf32>
    %add3A_22 = arith.addf %max3A_16, %log1p3A : vector<512x64xf32>
    %select_n3A = arith.select %ne3A, %add3A_19, %add3A_22 : vector<512x64xi1>, vector<512x64xf32>
    %mul3A = arith.mulf %get3A_15, %select_n3A : vector<512x64xf32>
    %add3A_23 = arith.addf %slice3A, %mul3A : vector<512x64xf32>
    %reduce_max3A = arith.constant dense<0xFF800000> : vector<512xf32>
    %reduce_max3A_24 = vector.multi_reduction <maximumf>, %add3A_23, %reduce_max3A [1] : vector<512x64xf32> to vector<512xf32>
    %broadcast_in_dim3A = vector.shape_cast %reduce_max3A_24 : vector<512xf32> to vector<512x1xf32>
    %iota3A = tpu.iota {dimensions = array<i32: 1>} : vector<512x64xi32>
    %eq3A_25 = vector.broadcast %broadcast_in_dim3A : vector<512x1xf32> to vector<512x64xf32>
    %eq3A_26 = arith.cmpf oeq, %add3A_23, %eq3A_25 : vector<512x64xf32>
    %jit3A = arith.constant 64 : i32
    %broadcast_in_dim3A_27 = vector.broadcast %jit3A : i32 to vector<512x64xi32>
    %select_n3A_28 = arith.select %eq3A_26, %iota3A, %broadcast_in_dim3A_27 : vector<512x64xi1>, vector<512x64xi32>
    %reduce_min3A = arith.constant dense<2147483647> : vector<512xi32>
    %reduce_min3A_29 = vector.multi_reduction <minsi>, %select_n3A_28, %reduce_min3A [1] : vector<512x64xi32> to vector<512xi32>
    %broadcast_in_dim3A_30 = vector.shape_cast %reduce_min3A_29 : vector<512xi32> to vector<512x1xi32>
    %eq3A_31 = vector.broadcast %broadcast_in_dim3A_30 : vector<512x1xi32> to vector<512x64xi32>
    %eq3A_32 = arith.cmpi eq, %iota3A, %eq3A_31 : vector<512x64xi32>
    %convert_element_type3A_33 = arith.extui %eq3A_32 : vector<512x64xi1> to vector<512x64xi32>
    %convert_element_type3A_34 = arith.sitofp %convert_element_type3A_33 : vector<512x64xi32> to vector<512x64xf32>
    %iota3A_35 = tpu.iota {dimensions = array<i32: 0>} : vector<512x512xi32>
    %iota3A_36 = tpu.iota {dimensions = array<i32: 1>} : vector<512x512xi32>
    %ge3A = arith.cmpi sge, %iota3A_35, %iota3A_36 : vector<512x512xi32>
    %convert_element_type3A_37 = arith.extui %ge3A : vector<512x512xi1> to vector<512x512xi32>
    %convert_element_type3A_38 = arith.sitofp %convert_element_type3A_37 : vector<512x512xi32> to vector<512x512xf32>
    %convert_element_type3A_39 = arith.truncf %convert_element_type3A_38 : vector<512x512xf32> to vector<512x512xbf16>
    %convert_element_type3A_40 = arith.truncf %convert_element_type3A_34 : vector<512x64xf32> to vector<512x64xbf16>
    %dot_general3A_41 = arith.constant dense<0.000000e+00> : vector<512x64xf32>
    %dot_general3A_42 = tpu.matmul %convert_element_type3A_39, %convert_element_type3A_40, %dot_general3A_41 {dimension_numbers = #tpu.dot_dimension_numbers<[1], [0], [0], [1], [0, 0, 1, 1], [], []>, transpose_lhs_hint = false} : vector<512x512xbf16>, vector<512x64xbf16>, vector<512x64xf32> -> vector<512x64xf32>
    %sub3A_43 = arith.subf %dot_general3A_42, %convert_element_type3A_34 : vector<512x64xf32>
    %get3A_44 = arith.constant 0 : index
    %get3A_45 = arith.constant 0 : index
    %get3A_46 = vector.load %arg6[%get3A_44, %get3A_45] : memref<1x64xf32, #tpu.memory_space<vmem>>, vector<1x64xf32>
    %add3A_47 = vector.broadcast %get3A_46 : vector<1x64xf32> to vector<512x64xf32>
    %add3A_48 = arith.addf %sub3A_43, %add3A_47 : vector<512x64xf32>
    %mul3A_49 = arith.mulf %add3A_48, %convert_element_type3A_34 : vector<512x64xf32>
    %reduce_sum3A = arith.constant dense<0.000000e+00> : vector<512xf32>
    %reduce_sum3A_50 = vector.multi_reduction <add>, %mul3A_49, %reduce_sum3A [1] : vector<512x64xf32> to vector<512xf32>
    %broadcast_in_dim3A_51 = vector.shape_cast %reduce_sum3A_50 : vector<512xf32> to vector<512x1xf32>
    %convert_element_type3A_52 = arith.fptosi %broadcast_in_dim3A_51 : vector<512x1xf32> to vector<512x1xi32>
    %mul3A_53 = arith.constant 512 : i32
    %mul3A_54 = arith.muli %arg0, %mul3A_53 : i32
    %iota3A_55 = tpu.iota {dimensions = array<i32: 0>} : vector<512x1xi32>
    %add3A_56 = vector.broadcast %mul3A_54 : i32 to vector<512x1xi32>
    %add3A_57 = arith.addi %add3A_56, %iota3A_55 : vector<512x1xi32>
    %lt3A = arith.constant 64 : i32
    %lt3A_58 = vector.broadcast %lt3A : i32 to vector<512x1xi32>
    %lt3A_59 = arith.cmpi slt, %convert_element_type3A_52, %lt3A_58 : vector<512x1xi32>
    %mul3A_60 = arith.constant 64 : i32
    %mul3A_61 = vector.broadcast %mul3A_60 : i32 to vector<512x1xi32>
    %mul3A_62 = arith.muli %broadcast_in_dim3A_30, %mul3A_61 : vector<512x1xi32>
    %add3A_63 = arith.addi %mul3A_62, %convert_element_type3A_52 : vector<512x1xi32>
    %jit3A_64 = arith.constant 128 : i32
    %div3A = vector.broadcast %jit3A_64 : i32 to vector<512x1xi32>
    %div3A_65 = arith.divsi %add3A_57, %div3A : vector<512x1xi32>
    %sign3A = arith.constant 0 : i32
    %sign3A_66 = vector.broadcast %sign3A : i32 to vector<512x1xi32>
    %sign3A_67 = arith.cmpi sgt, %add3A_57, %sign3A_66 : vector<512x1xi32>
    %sign3A_68 = arith.extui %sign3A_67 : vector<512x1xi1> to vector<512x1xi32>
    %sign3A_69 = arith.constant 0 : i32
    %sign3A_70 = vector.broadcast %sign3A_69 : i32 to vector<512x1xi32>
    %sign3A_71 = arith.cmpi slt, %add3A_57, %sign3A_70 : vector<512x1xi32>
    %sign3A_72 = arith.extui %sign3A_71 : vector<512x1xi1> to vector<512x1xi32>
    %sign3A_73 = arith.subi %sign3A_68, %sign3A_72 : vector<512x1xi32>
    %sign3A_74 = arith.constant 0 : i32
    %sign3A_75 = arith.cmpi sgt, %jit3A_64, %sign3A_74 : i32
    %sign3A_76 = arith.extui %sign3A_75 : i1 to i32
    %sign3A_77 = arith.constant 0 : i32
    %sign3A_78 = arith.cmpi slt, %jit3A_64, %sign3A_77 : i32
    %sign3A_79 = arith.extui %sign3A_78 : i1 to i32
    %sign3A_80 = arith.subi %sign3A_76, %sign3A_79 : i32
    %ne3A_81 = vector.broadcast %sign3A_80 : i32 to vector<512x1xi32>
    %ne3A_82 = arith.cmpi ne, %sign3A_73, %ne3A_81 : vector<512x1xi32>
    %rem3A = vector.broadcast %jit3A_64 : i32 to vector<512x1xi32>
    %rem3A_83 = arith.remsi %add3A_57, %rem3A : vector<512x1xi32>
    %ne3A_84 = arith.constant 0 : i32
    %ne3A_85 = vector.broadcast %ne3A_84 : i32 to vector<512x1xi32>
    %ne3A_86 = arith.cmpi ne, %rem3A_83, %ne3A_85 : vector<512x1xi32>
    %and3A = arith.andi %ne3A_82, %ne3A_86 : vector<512x1xi1>
    %sub3A_87 = arith.constant 1 : i32
    %sub3A_88 = vector.broadcast %sub3A_87 : i32 to vector<512x1xi32>
    %sub3A_89 = arith.subi %div3A_65, %sub3A_88 : vector<512x1xi32>
    %select_n3A_90 = arith.select %and3A, %sub3A_89, %div3A_65 : vector<512x1xi1>, vector<512x1xi32>
    %add3A_91 = arith.constant 4096 : i32
    %add3A_92 = vector.broadcast %add3A_91 : i32 to vector<512x1xi32>
    %add3A_93 = arith.addi %add3A_92, %select_n3A_90 : vector<512x1xi32>
    %select_n3A_94 = arith.select %lt3A_59, %add3A_63, %add3A_93 : vector<512x1xi1>, vector<512x1xi32>
    %swap3A = arith.constant 0 : index
    %swap3A_95 = arith.constant 0 : index
    %swap3A_96 = vector.load %arg5[%swap3A, %swap3A_95] : memref<512x1xi32, #tpu.memory_space<vmem>>, vector<512x1xi32>
    tpu.vector_store %arg5[%swap3A, %swap3A_95], %select_n3A_94 {strides = array<i32>} : memref<512x1xi32, #tpu.memory_space<vmem>>, vector<512x1xi32>,
    %get3A_97 = arith.constant 0 : index
    %get3A_98 = arith.constant 0 : index
    %get3A_99 = vector.load %arg6[%get3A_97, %get3A_98] : memref<1x64xf32, #tpu.memory_space<vmem>>, vector<1x64xf32>
    %slice3A_100 = vector.extract_strided_slice %dot_general3A_42 {offsets = [511, 0], sizes = [1, 64], strides = [1, 1]} : vector<512x64xf32> to vector<1x64xf32>
    %add3A_101 = arith.addf %get3A_99, %slice3A_100 : vector<1x64xf32>
    %swap3A_102 = arith.constant 0 : index
    %swap3A_103 = arith.constant 0 : index
    %swap3A_104 = vector.load %arg6[%swap3A_102, %swap3A_103] : memref<1x64xf32, #tpu.memory_space<vmem>>, vector<1x64xf32>
    tpu.vector_store %arg6[%swap3A_102, %swap3A_103], %add3A_101 {strides = array<i32>} : memref<1x64xf32, #tpu.memory_space<vmem>>, vector<1x64xf32>,
    return
  }
  func.func @transform_0(%arg0: i32) -> (i32, i32) {
    %c0_i32 = arith.constant 0 : i32
    %c0_i32_0 = arith.constant 0 : i32
    return %arg0, %c0_i32 : i32, i32
  }
  func.func @transform_1(%arg0: i32) -> (i32, i32) {
    %c0_i32 = arith.constant 0 : i32
    %c0_i32_0 = arith.constant 0 : i32
    return %arg0, %c0_i32 : i32, i32
  }
  func.func @transform_2(%arg0: i32) -> (i32, i32) {
    %c0_i32 = arith.constant 0 : i32
    %c0_i32_0 = arith.constant 0 : i32
    %c0_i32_1 = arith.constant 0 : i32
    return %c0_i32, %c0_i32_0 : i32, i32
  }
  func.func @transform_3(%arg0: i32) -> (i32, i32) {
    %c0_i32 = arith.constant 0 : i32
    %c0_i32_0 = arith.constant 0 : i32
    %c0_i32_1 = arith.constant 0 : i32
    return %c0_i32, %c0_i32_0 : i32, i32
  }
  func.func @transform_4(%arg0: i32) -> (i32, i32) {
    %c0_i32 = arith.constant 0 : i32
    %c0_i32_0 = arith.constant 0 : i32
    return %arg0, %c0_i32 : i32, i32
  }
}

module attributes {stable_mosaic.version = 14 : i64} {
  func.func @_ffn_body(%arg0: i32, %arg1: i32, %arg2: memref<64x768xf32, #tpu.memory_space<vmem>>, %arg3: memref<1x768x1536xf32, #tpu.memory_space<vmem>>, %arg4: memref<1x1x1536xf32, #tpu.memory_space<vmem>>, %arg5: memref<1x1536x768xf32, #tpu.memory_space<vmem>>, %arg6: memref<1x1x768xf32, #tpu.memory_space<vmem>>, %arg7: memref<64x768xf32, #tpu.memory_space<vmem>>, %arg8: memref<64x768xf32, #tpu.memory_space<vmem>>) attributes {dimension_semantics = [#tpu.dimension_semantics<arbitrary>, #tpu.dimension_semantics<arbitrary>], iteration_bounds = array<i64: 65, 2>, scalar_prefetch = 0 : i64, scratch_operands = 1 : i64, tpu.core_type = #tpu.core_type<tc>, window_params = [{transform_indices = @transform_0, window_bounds = array<i64: 64, 768>}, {transform_indices = @transform_1, window_bounds = array<i64: 1, 768, 1536>}, {transform_indices = @transform_2, window_bounds = array<i64: 1, 1, 1536>}, {transform_indices = @transform_3, window_bounds = array<i64: 1, 1536, 768>}, {transform_indices = @transform_4, window_bounds = array<i64: 1, 1, 768>}, {transform_indices = @transform_5, window_bounds = array<i64: 64, 768>}]} {
    %lt3A = arith.constant 64 : i32
    %lt3A_0 = arith.cmpi slt, %arg0, %lt3A : i32
    %convert_element_type3A = arith.extui %lt3A_0 : i1 to i32
    %cond3A = arith.constant 0 : i32
    %cond3A_1 = arith.cmpi ne, %convert_element_type3A, %cond3A : i32
    scf.if %cond3A_1 {
      %get3A = arith.constant 0 : index
      %get3A_6 = arith.constant 0 : index
      %get3A_7 = vector.load %arg2[%get3A, %get3A_6] : memref<64x768xf32, #tpu.memory_space<vmem>>, vector<64x768xf32>
      %get3A_8 = arith.constant 0 : index
      %get3A_9 = arith.constant 0 : index
      %get3A_10 = arith.constant 0 : index
      %get3A_11 = vector.load %arg3[%get3A_8, %get3A_9, %get3A_10] : memref<1x768x1536xf32, #tpu.memory_space<vmem>>, vector<1x768x1536xf32>
      %get3A_12 = vector.shape_cast %get3A_11 : vector<1x768x1536xf32> to vector<768x1536xf32>
      %dot_general3A = arith.constant dense<0.000000e+00> : vector<64x1536xf32>
      %dot_general3A_13 = tpu.matmul %get3A_7, %get3A_12, %dot_general3A {dimension_numbers = #tpu.dot_dimension_numbers<[1], [0], [0], [1], [0, 0, 1, 1], [], []>, transpose_lhs_hint = false} : vector<64x768xf32>, vector<768x1536xf32>, vector<64x1536xf32> -> vector<64x1536xf32>
      %get3A_14 = arith.constant 0 : index
      %get3A_15 = arith.constant 0 : index
      %get3A_16 = arith.constant 0 : index
      %get3A_17 = vector.load %arg4[%get3A_14, %get3A_15, %get3A_16] : memref<1x1x1536xf32, #tpu.memory_space<vmem>>, vector<1x1x1536xf32>
      %get3A_18 = vector.shape_cast %get3A_17 : vector<1x1x1536xf32> to vector<1x1536xf32>
      %add3A = vector.broadcast %get3A_18 : vector<1x1536xf32> to vector<64x1536xf32>
      %add3A_19 = arith.addf %dot_general3A_13, %add3A : vector<64x1536xf32>
      %max3A = arith.constant 0.000000e+00 : f32
      %max3A_20 = vector.broadcast %max3A : f32 to vector<64x1536xf32>
      %max3A_21 = arith.maximumf %add3A_19, %max3A_20 : vector<64x1536xf32>
      %get3A_22 = arith.constant 0 : index
      %get3A_23 = arith.constant 0 : index
      %get3A_24 = arith.constant 0 : index
      %get3A_25 = vector.load %arg5[%get3A_22, %get3A_23, %get3A_24] : memref<1x1536x768xf32, #tpu.memory_space<vmem>>, vector<1x1536x768xf32>
      %get3A_26 = vector.shape_cast %get3A_25 : vector<1x1536x768xf32> to vector<1536x768xf32>
      %dot_general3A_27 = arith.constant dense<0.000000e+00> : vector<64x768xf32>
      %dot_general3A_28 = tpu.matmul %max3A_21, %get3A_26, %dot_general3A_27 {dimension_numbers = #tpu.dot_dimension_numbers<[1], [0], [0], [1], [0, 0, 1, 1], [], []>, transpose_lhs_hint = false} : vector<64x1536xf32>, vector<1536x768xf32>, vector<64x768xf32> -> vector<64x768xf32>
      %eq3A_29 = arith.constant 0 : i32
      %eq3A_30 = arith.cmpi eq, %arg1, %eq3A_29 : i32
      %convert_element_type3A_31 = arith.extui %eq3A_30 : i1 to i32
      %cond3A_32 = arith.constant 0 : i32
      %cond3A_33 = arith.cmpi ne, %convert_element_type3A_31, %cond3A_32 : i32
      scf.if %cond3A_33 {
        %get3A_43 = arith.constant 0 : index
        %get3A_44 = arith.constant 0 : index
        %get3A_45 = arith.constant 0 : index
        %get3A_46 = vector.load %arg6[%get3A_43, %get3A_44, %get3A_45] : memref<1x1x768xf32, #tpu.memory_space<vmem>>, vector<1x1x768xf32>
        %get3A_47 = vector.shape_cast %get3A_46 : vector<1x1x768xf32> to vector<1x768xf32>
        %add3A_48 = vector.broadcast %get3A_47 : vector<1x768xf32> to vector<64x768xf32>
        %add3A_49 = arith.addf %dot_general3A_28, %add3A_48 : vector<64x768xf32>
        %swap3A = arith.constant 0 : index
        %swap3A_50 = arith.constant 0 : index
        %swap3A_51 = vector.load %arg8[%swap3A, %swap3A_50] : memref<64x768xf32, #tpu.memory_space<vmem>>, vector<64x768xf32>
        tpu.vector_store %arg8[%swap3A, %swap3A_50], %add3A_49 {strides = array<i32>} : memref<64x768xf32, #tpu.memory_space<vmem>>, vector<64x768xf32>,
      } else {
      }
      %gt3A = arith.constant 0 : i32
      %gt3A_34 = arith.cmpi sgt, %arg1, %gt3A : i32
      %convert_element_type3A_35 = arith.extui %gt3A_34 : i1 to i32
      %cond3A_36 = arith.constant 0 : i32
      %cond3A_37 = arith.cmpi ne, %convert_element_type3A_35, %cond3A_36 : i32
      scf.if %cond3A_37 {
        %get3A_43 = arith.constant 0 : index
        %get3A_44 = arith.constant 0 : index
        %get3A_45 = vector.load %arg8[%get3A_43, %get3A_44] : memref<64x768xf32, #tpu.memory_space<vmem>>, vector<64x768xf32>
        %add3A_46 = arith.addf %get3A_45, %dot_general3A_28 : vector<64x768xf32>
        %swap3A = arith.constant 0 : index
        %swap3A_47 = arith.constant 0 : index
        %swap3A_48 = vector.load %arg8[%swap3A, %swap3A_47] : memref<64x768xf32, #tpu.memory_space<vmem>>, vector<64x768xf32>
        tpu.vector_store %arg8[%swap3A, %swap3A_47], %add3A_46 {strides = array<i32>} : memref<64x768xf32, #tpu.memory_space<vmem>>, vector<64x768xf32>,
      } else {
      }
      %eq3A_38 = arith.constant 1 : i32
      %eq3A_39 = arith.cmpi eq, %arg1, %eq3A_38 : i32
      %convert_element_type3A_40 = arith.extui %eq3A_39 : i1 to i32
      %cond3A_41 = arith.constant 0 : i32
      %cond3A_42 = arith.cmpi ne, %convert_element_type3A_40, %cond3A_41 : i32
      scf.if %cond3A_42 {
        %get3A_43 = arith.constant 0 : index
        %get3A_44 = arith.constant 0 : index
        %get3A_45 = vector.load %arg8[%get3A_43, %get3A_44] : memref<64x768xf32, #tpu.memory_space<vmem>>, vector<64x768xf32>
        %swap3A = arith.constant 0 : index
        %swap3A_46 = arith.constant 0 : index
        %swap3A_47 = vector.load %arg7[%swap3A, %swap3A_46] : memref<64x768xf32, #tpu.memory_space<vmem>>, vector<64x768xf32>
        tpu.vector_store %arg7[%swap3A, %swap3A_46], %get3A_45 {strides = array<i32>} : memref<64x768xf32, #tpu.memory_space<vmem>>, vector<64x768xf32>,
      } else {
      }
    } else {
    }
    %eq3A = arith.constant 64 : i32
    %eq3A_2 = arith.cmpi eq, %arg0, %eq3A : i32
    %convert_element_type3A_3 = arith.extui %eq3A_2 : i1 to i32
    %cond3A_4 = arith.constant 0 : i32
    %cond3A_5 = arith.cmpi ne, %convert_element_type3A_3, %cond3A_4 : i32
    scf.if %cond3A_5 {
      %broadcast_in_dim3A = arith.constant 0.000000e+00 : f32
      %broadcast_in_dim3A_6 = vector.broadcast %broadcast_in_dim3A : f32 to vector<64x768xf32>
      %swap3A = arith.constant 0 : index
      %swap3A_7 = arith.constant 0 : index
      %swap3A_8 = vector.load %arg7[%swap3A, %swap3A_7] : memref<64x768xf32, #tpu.memory_space<vmem>>, vector<64x768xf32>
      tpu.vector_store %arg7[%swap3A, %swap3A_7], %broadcast_in_dim3A_6 {strides = array<i32>} : memref<64x768xf32, #tpu.memory_space<vmem>>, vector<64x768xf32>,
    } else {
    }
    return
  }
  func.func @transform_0(%arg0: i32, %arg1: i32) -> (i32, i32) {
    %c0_i32 = arith.constant 0 : i32
    %c0_i32_0 = arith.constant 0 : i32
    return %arg0, %c0_i32 : i32, i32
  }
  func.func @transform_1(%arg0: i32, %arg1: i32) -> (i32, i32, i32) {
    %min3A = arith.constant 63 : i32
    %min3A_0 = arith.minsi %arg0, %min3A : i32
    %c0_i32 = arith.constant 0 : i32
    %c0_i32_1 = arith.constant 0 : i32
    return %min3A_0, %c0_i32, %arg1 : i32, i32, i32
  }
  func.func @transform_2(%arg0: i32, %arg1: i32) -> (i32, i32, i32) {
    %min3A = arith.constant 63 : i32
    %min3A_0 = arith.minsi %arg0, %min3A : i32
    %c0_i32 = arith.constant 0 : i32
    %c0_i32_1 = arith.constant 0 : i32
    return %min3A_0, %c0_i32, %arg1 : i32, i32, i32
  }
  func.func @transform_3(%arg0: i32, %arg1: i32) -> (i32, i32, i32) {
    %min3A = arith.constant 63 : i32
    %min3A_0 = arith.minsi %arg0, %min3A : i32
    %c0_i32 = arith.constant 0 : i32
    %c0_i32_1 = arith.constant 0 : i32
    return %min3A_0, %arg1, %c0_i32 : i32, i32, i32
  }
  func.func @transform_4(%arg0: i32, %arg1: i32) -> (i32, i32, i32) {
    %min3A = arith.constant 63 : i32
    %min3A_0 = arith.minsi %arg0, %min3A : i32
    %c0_i32 = arith.constant 0 : i32
    %c0_i32_1 = arith.constant 0 : i32
    %c0_i32_2 = arith.constant 0 : i32
    return %min3A_0, %c0_i32, %c0_i32_1 : i32, i32, i32
  }
  func.func @transform_5(%arg0: i32, %arg1: i32) -> (i32, i32) {
    %c0_i32 = arith.constant 0 : i32
    %c0_i32_0 = arith.constant 0 : i32
    return %arg0, %c0_i32 : i32, i32
  }
}

</mosaic_0001>

<sc_bundles>
// kernel: kernel.6.cloned.1.call-start
scs
__scs_entry_jumppad:
0x0: {  	(pc) =	sbr.rel $0x88, $3  }
0x1: {  	(tag) =	ssettag $0x0;
	lr =	simm.s32 $0x1  }
0x2: {  	[smem:$0x3F97] =	sst lr;
	_ =	strace $0xD0000000  }
0x3: {  	_ = 	snop  }
0x4: {  	_ = 	snop  }
0x5: {  	_ = 	snop  }
0x6: {  	_ = 	snop  }
0x7: {  	_ = 	snop  }
__scs_overlays_trampoline_lowered:
0x8: {  	[smem:$0x3FA6] =	sst s0  }
0x9: {  	[smem:$0x3FA7] =	sst s1  }
0xa: {  	[smem:$0x3FA8] =	sst s2  }
0xb: {  	[smem:$0x3FA9] =	sst s3  }
0xc: {  	[smem:$0x3FAA] =	sst s4  }
0xd: {  	[smem:$0x3FAB] =	sst s5  }
0xe: {  	[smem:$0x3FAC] =	sst s6  }
0xf: {  	[smem:$0x3FAD] =	sst s7  }
0x10: {  	[smem:$0x3FAE] =	sst s8  }
0x11: {  	[smem:$0x3FAF] =	sst s9;
	s0 =	simm.s32 @!p0 $0x0  }
0x12: {  	s1 =	sld [smem:$0x3F95];
	s0 =	simm.s32 @p0 $0x1  }
0x13: {  	[smem:$0x3FB0] =	sst s0;
	s0 =	simm.s32 @!p1 $0x0  }
0x14: {  	s2 =	sld [smem:$0x3F94];
	s0 =	simm.s32 @p1 $0x1  }
0x15: {  	[smem:$0x3FB1] =	sst s0;
	s0 =	simm.s32 @!p2 $0x0  }
0x16: {  	s3 =	sld [smem:$0x3FDB];
	s0 =	simm.s32 @p2 $0x1  }
0x17: {  	s4 =	simm.s32 $0x1BF5;
	[smem:$0x3FB3] =	sst s0  }
0x18: {  	s0 =	sld [smem:$0x3F96];
	_ =	swait.ge [sflag:s4], $0x0  }
0x19: {  	s7 =	sld [smem:$0x3F97]  }
0x1a: {  	s8 =	sadd.s32 $0xFFFFE003, lr  }
0x1b: {  	s9 =	sadd.s32 $0xFFFFFEF7, lr;
	s5 =	simm.s32 $0xFFFFFFFF;
	p2 =	slt.u32 s8, $0xFFFFF086  }
0x1c: {  	p1 =	slt.u32 s9, $0xF7A;
	s5 =	simm.s32 @!p2 $0x0  }
0x1d: {  	s5 =	simm.s32 @p1 $0x1;
	p0 =	seq.s32 s7, s2  }
0x1e: {  	s7 =	smul.u32 @!p0 $0xF7A, s2;
	p2 =	seq.s32 @!p0 s5, $0x0  }
0x1f: {  	s9 =	smul.u32 $0xF7A, s1;
	s8 =	simm.s32 @!p0 $0x1BF5;
	p2 =	por !p2, p0  }
0x20: {  	[sflag:s8] =	ssyncset.s32 @!p0 $0xFFFFF086;
	s6 =	sadd.s32 @!p0 s3, s7;
	s7 =	simm.s32 @!p0 $0x108  }
0x21: {  	s3 =	sadd.s32 s3, s9;
	s6 =	sadd.s32 @!p0 $0x88, s6;
	s7 =	simm.s32 @p2 $0x1082  }
0x22: {  	[simem:s7], [sflag:s8] =	dma.local @!p0 [hbm:s6], $0xF7A  }
0x23: {  	s9 =	sor.u32 $0xD0000000, s2;
	s6 =	simm.s32 $0x108;
	_ =	swait.ge @!p0 [sflag:s8], $0x0  }
0x24: {  	s3 =	sadd.s32 $0x88, s3;
	s6 =	simm.s32 @!p1 $0x1082;
	[sflag:s4] =	ssyncset.s32 $0xFFFFF086  }
0x25: {  	[simem:s6], [sflag:s4] =	dma.local [hbm:s3], $0xF7A  }
0x26: {  	[smem:$0x3F97] =	sst s1;
	(tag) =	ssettag s2;
	_ =	strace s9  }
0x27: {  	s1 =	sld [smem:$0x3FA7]  }
0x28: {  	s2 =	sld [smem:$0x3FA8]  }
0x29: {  	s4 =	sld [smem:$0x3FAA]  }
0x2a: {  	p0 =	seq.s32 s5, $0x0;
	s5 =	sld [smem:$0x3FAB]  }
0x2b: {  	s6 =	sld [smem:$0x3FAC]  }
0x2c: {  	s7 =	sld [smem:$0x3FAD]  }
0x2d: {  	s3 =	simm.s32 $0x108;
	s8 =	sld [smem:$0x3FAE]  }
0x2e: {  	s3 =	simm.s32 @!p0 $0x1082;
	s9 =	sld [smem:$0x3FAF]  }
0x2f: {  	lr =	sadd.s32 s0, s3;
	s0 =	sld [smem:$0x3FA6]  }
0x30: {  	s3 =	sld [smem:$0x3FA9]  }
0x31: {  	[smem:$0x3FB2] =	sst s10  }
0x32: {  	s10 =	sld [smem:$0x3FB0];
	_ =	sdelay $0x3  }
0x33: {  	p0 =	seq.s32 s10, $0x1;
	s10 =	sld [smem:$0x3FB2];
	_ =	sdelay $0x3  }
0x34: {  	[smem:$0x3FB2] =	sst s10  }
0x35: {  	s10 =	sld [smem:$0x3FB1];
	_ =	sdelay $0x3  }
0x36: {  	p1 =	seq.s32 s10, $0x1;
	s10 =	sld [smem:$0x3FB2];
	_ =	sdelay $0x3  }
0x37: {  	[smem:$0x3FB2] =	sst s10  }
0x38: {  	s10 =	sld [smem:$0x3FB3]  }
0x39: {  	_ = 	snop;
	(pc) =	sbr.ind lr, $3  }
0x3a: {  	_ = 	snop  }
0x3b: {  	_ = 	snop  }
0x3c: {  	p2 =	seq.s32 s10, $0x1;
	s10 =	sld [smem:$0x3FB2]  }
0x3d: {  	_ =	shalt  }
0x3e: {  	_ =	shalt  }
0x3f: {  	_ =	shalt  }
0x40: {  	_ =	shalt  }
0x41: {  	_ =	shalt  }
0x42: {  	_ =	shalt  }
0x43: {  	_ =	shalt  }
0x44: {  	_ =	shalt  }
0x45: {  	_ =	shalt  }
0x46: {  	_ =	shalt  }
0x47: {  	_ =	shalt  }
0x48: {  	_ =	shalt  }
0x49: {  	_ =	shalt  }
0x4a: {  	_ =	shalt  }
0x4b: {  	_ =	shalt  }
0x4c: {  	_ =	shalt  }
0x4d: {  	_ =	shalt  }
0x4e: {  	_ =	shalt  }
0x4f: {  	_ =	shalt  }
0x50: {  	_ =	shalt  }
0x51: {  	_ =	shalt  }
0x52: {  	_ =	shalt  }
0x53: {  	_ =	shalt  }
0x54: {  	_ =	shalt  }
0x55: {  	_ =	shalt  }
0x56: {  	_ =	shalt  }
0x57: {  	_ =	shalt  }
0x58: {  	_ =	shalt  }
0x59: {  	_ =	shalt  }
0x5a: {  	_ =	shalt  }
0x5b: {  	_ =	shalt  }
0x5c: {  	_ =	shalt  }
0x5d: {  	_ =	shalt  }
0x5e: {  	_ =	shalt  }
0x5f: {  	_ =	shalt  }
0x60: {  	_ =	shalt  }
0x61: {  	_ =	shalt  }
0x62: {  	_ =	shalt  }
0x63: {  	_ =	shalt  }
0x64: {  	_ =	shalt  }
0x65: {  	_ =	shalt  }
0x66: {  	_ =	shalt  }
0x67: {  	_ =	shalt  }
0x68: {  	_ =	shalt  }
0x69: {  	_ =	shalt  }
0x6a: {  	_ =	shalt  }
0x6b: {  	_ =	shalt  }
0x6c: {  	_ =	shalt  }
0x6d: {  	_ =	shalt  }
0x6e: {  	_ =	shalt  }
0x6f: {  	_ =	shalt  }
0x70: {  	_ =	shalt  }
0x71: {  	_ =	shalt  }
0x72: {  	_ =	shalt  }
0x73: {  	_ =	shalt  }
0x74: {  	_ =	shalt  }
0x75: {  	_ =	shalt  }
0x76: {  	_ =	shalt  }
0x77: {  	_ =	shalt  }
0x78: {  	_ =	shalt  }
0x79: {  	_ =	shalt  }
0x7a: {  	_ =	shalt  }
0x7b: {  	_ =	shalt  }
0x7c: {  	_ =	shalt  }
0x7d: {  	_ =	shalt  }
0x7e: {  	_ =	shalt  }
0x7f: {  	_ =	shalt  }
0x80: {  	_ =	shalt  }
0x81: {  	_ =	shalt  }
0x82: {  	_ =	shalt  }
0x83: {  	_ =	shalt  }
0x84: {  	_ =	shalt  }
0x85: {  	_ =	shalt  }
0x86: {  	_ =	shalt  }
0x87: {  	_ =	shalt  }
.Lfunc_end0:
.L_simem_size_0:
called_computation_lowered:
.L_overlay_start_0:
0x88: {  	s2 =	sld [smem:$0x3FD9]  }
0x89: {  	s3 =	sld [smem:$0x3FFE];
	_ =	sdelay $0x1  }
0x8a: {  	s1 =	srdreg.scid  }
0x8b: {  	s0 =	sand.u32 $0x1, s1  }
0x8c: {  	s17 =	sshll.u32 s0, $0xA;
	s2 =	sadd.s32 s3, s2  }
0x8d: {  	s2 =	sadd.s32 s2, s17  }
0x8e: {  	[smem:$0x3FBE] =	sst s2  }
0x8f: {  	_ = 	snop  }
0x90: {  	s2 =	sld [smem:$0x3FC9];
	(tm) =	ssettm $0x1  }
0x91: {  	s18 =	sld [smem:$0x3FFB];
	_ =	sdelay $0x3  }
0x92: {  	_ =	strace s18  }
0x93: {  	s3 =	sld [smem:$0x3FFC];
	_ =	sdelay $0x3  }
0x94: {  	_ =	strace s3  }
0x95: {  	s3 =	sld [smem:$0x3FFD];
	_ =	sdelay $0x3  }
0x96: {  	_ =	strace s3  }
0x97: {  	_ =	strace $0x8FFFFFFF  }
0x98: {  	s19 =	sld [smem:$0x3FDB];
	_ =	sdelay $0x1  }
0x99: {  	s4 =	simm.s32 $_scs_section_size  }
0x9a: {  	s5 =	simm.s32 $_size__tile_overlayer_lowered;
	s6 =	simm.s32 $_tile_overlayer_lowered  }
0x9b: {  	s22 =	simm.s32 $0x1BFF;
	s21 =	sshll.u32 s6, $0x1;
	s3 =	sadd.s32 s4, s19  }
0x9c: {  	s7 =	simm.s32 $0x0;
	s20 =	sshll.u32 s5, $0x1;
	s5 =	sadd.s32 s21, s3  }
0x9d: {  	[timem:s7], [sflag:s22] =	dma.local [hbm:s5], s20  }
0x9e: {  	_ =	swait.ge [sflag:s22], s20  }
0x9f: {  	s4 =	ssub.s32 $0x0, s20;
	[sflag:s22] =	ssyncset.done $0x0  }
0xa0: {  	[sflag:s22] =	ssyncadd.s32 s4;
	_ =	sdelay $0x1  }
0xa1: {  	s23 =	simm.s32 $0x1B8B  }
0xa2: {  	_ =	swait.ge [sflag:s23], $0x1  }
0xa3: {  	[sflag:s23] =	ssyncset.done $0x0  }
0xa4: {  	s25 =	simm.s32 $0x1B8E;
	s24 =	sld [smem:$0x3FFE];
	[sflag:s23] =	ssyncadd.s32 $0xFFFFFFFF  }
0xa5: {  	s26 =	simm.s32 $execute0_lowered;
	[smem:$0x3FD2] =	sst s25  }
0xa6: {  	s5 =	sshll.u32 s26, $0x1;
	_ =	strace $0x80000046;
	[dreg:$0x1] =	wrdreg $0xFFFFFFFF  }
0xa7: {  	s28 =	simm.s32 $_size_execute0_lowered;
	s3 =	sadd.s32 s3, s5;
	[dreg:$0x0] =	wrdreg $0x0  }
0xa8: {  	s5 =	sshll.u32 s28, $0x1;
	[dreg:$0x2] =	wrdreg s3  }
0xa9: {  	[dreg:$0x3] =	wrdreg s5  }
0xaa: {  	[dreg:$0x4] =	wrdreg $0xC0  }
0xab: {  	_ =	task [dreg:s7], $0x5FFFF  }
0xac: {  	[dreg:$0x1] =	wrdreg $0xFFFFFFFF  }
0xad: {  	[dreg:$0x0] =	wrdreg $0x60  }
0xae: {  	[dreg:$0x2] =	wrdreg s2  }
0xaf: {  	[dreg:$0x3] =	wrdreg s24  }
0xb0: {  	[dreg:$0x4] =	wrdreg $0x9  }
0xb1: {  	_ =	task.clear_ibuf [dreg:s7], $0x5FFFF;
	_ =	strace $0x90000046  }
0xb2: {  	s29 =	simm.s32 $0x9;
	_ =	strace $0x80000048  }
0xb3: {  	_ =	swait.ge [sflag:s29], $0x1  }
0xb4: {  	[sflag:s29] =	ssyncadd.s32 $0xFFFFFFFF  }
0xb5: {  	_ =	strace $0x90000048  }
0xb6: {  	_ =	sfence  }
0xb7: {  	s30 =	sld [smem:$0x0];
	_ =	sdelay $0x2  }
0xb8: {  	s31 =	sshll.u32 s1, $0xD;
	s1 =	sshrl.u32 s1, $0x2  }
0xb9: {  	s3 =	sand.u32 $0x4000, s31;
	s1 =	sadd.s32 s1, s30  }
0xba: {  	s0 =	sor.u32 s3, s0;
	s1 =	sshll.u32 s1, $0x11  }
0xbb: {  	s0 =	sor.u32 s1, s0  }
0xbc: {  	s0 =	sadd.s32 $0x8F2B, s0  }
0xbd: {  	[sflag:s0] =	ssyncadd.remote.s32 $0x1  }
0xbe: {  	_ =	sfence.sel $0xFFFF  }
0xbf: {  	[dreg:$0x0] =	wrdreg $0xFFFFFFFF;
	(pc) =	sbr.abs _section_cstart, $3  }
0xc0: {  	[dreg:$0x1] =	wrdreg $0xFFFFFFFF  }
0xc1: {  	_ =	task.clear_ibuf [dreg:s7], $0x2FFFF;
	_ =	strace $0x9FFFFFFF  }
0xc2: {  	(tm) =	ssettm $0x7FFFFFFF  }
0xc3: {  	_ =	shalt  }
tec
execute0_lowered:
.L_overlay_start_1:
0x0: {  	(tag) =	ssettag $0x1  }
0x1: {  	s3 =	rddreg [dreg:$0x0]  }
0x2: {  	s5 =	rddreg [dreg:$0x1];
	s2 =	simm.s32 $0x0  }
0x3: {  	s0 =	stileid.u32;
	s25 =	simm.s32 $0x880;
	[smem:$0x7FF] =	sst s2  }
0x4: {  	s26 =	simm.s32 $0x1080;
	_ =	strace $0x80000047;
	[dreg:$0x5] =	wrdreg s25  }
0x5: {  	s4 =	sshll.u32 s0, $0x5;
	s0 =	simm.s32 $0x1880;
	[dreg:$0x6] =	wrdreg s26  }
0x6: {  	s7 =	simm.s32 $0x3080;
	[dreg:$0x7] =	wrdreg s0  }
0x7: {  	s8 =	simm.s32 $0x3880;
	[dreg:$0xa] =	wrdreg s7  }
0x8: {  	s9 =	simm.s32 $0x4080;
	[dreg:$0xb] =	wrdreg s8  }
0x9: {  	s10 =	simm.s32 $0x4880;
	[dreg:$0xc] =	wrdreg s9  }
0xa: {  	s11 =	simm.s32 $0x5080;
	[dreg:$0xd] =	wrdreg s10  }
0xb: {  	s12 =	simm.s32 $0x5880;
	[dreg:$0xe] =	wrdreg s11  }
0xc: {  	s13 =	simm.s32 $0x6080;
	[dreg:$0xf] =	wrdreg s12  }
0xd: {  	s14 =	simm.s32 $0x6880;
	[dreg:$0x10] =	wrdreg s13  }
0xe: {  	s15 =	simm.s32 $0x7080;
	[dreg:$0x11] =	wrdreg s14  }
0xf: {  	s16 =	simm.s32 $0x7880;
	[dreg:$0x12] =	wrdreg s15  }
0x10: {  	s1 =	srdreg.scid;
	s17 =	simm.s32 $0x8080;
	[dreg:$0x13] =	wrdreg s16  }
0x11: {  	s18 =	simm.s32 $0x8880;
	s19 =	simm.s32 $0x9080;
	[dreg:$0x14] =	wrdreg s17  }
0x12: {  	s21 =	simm.s32 $0x9880;
	s22 =	simm.s32 $0xA080;
	[dreg:$0x15] =	wrdreg s18  }
0x13: {  	s23 =	simm.s32 $0xA880;
	s24 =	simm.s32 $0xB880;
	[dreg:$0x16] =	wrdreg s19  }
0x14: {  	s28 =	simm.s32 $0x15880;
	s29 =	simm.s32 $0x16080;
	[dreg:$0x17] =	wrdreg s21  }
0x15: {  	s30 =	simm.s32 $0x16880;
	s1 =	sand.u32 $0x1, s1;
	[dreg:$0x18] =	wrdreg s22  }
0x16: {  	s31 =	simm.s32 $0x17080;
	s6 =	sshll.u32 s1, $0x4;
	[dreg:$0x19] =	wrdreg s23  }
0x17: {  	s1 =	ssub.s32 $0x2, s1;
	s7 =	simm.s32 $0xB080;
	[dreg:$0x1b] =	wrdreg s24  }
0x18: {  	s25 =	simm.s32 $0xC080;
	s8 =	simm.s32 $0x2;
	s26 =	simm.s32 $0xC880  }
0x19: {  	s9 =	simm.s32 $0x1;
	s11 =	simm.s32 $0xD880;
	s12 =	simm.s32 $0xE080  }
0x1a: {  	s13 =	simm.s32 $0xE880;
	s14 =	simm.s32 $0xF080;
	s15 =	simm.s32 $0xF880  }
0x1b: {  	s16 =	simm.s32 $0x10080;
	s17 =	simm.s32 $0x10880;
	s18 =	simm.s32 $0x11080  }
0x1c: {  	s19 =	simm.s32 $0x11880;
	s21 =	simm.s32 $0x12880;
	s22 =	simm.s32 $0x13080  }
0x1d: {  	s23 =	simm.s32 $0x13880;
	s24 =	simm.s32 $0x14080;
	s4 =	sor.u32 s6, s4  }
0x1e: {  	s20 =	sshrl.u32 s1, $0x1;
	[dreg:$0x1a] =	wrdreg s7;
	s7 =	simm.s32 $0x80  }
0x1f: {  	[dreg:$0x1c] =	wrdreg s25;
	s6 =	sadd.s32 s4, s5;
	s4 =	smul.u32 $0x300, s4  }
0x20: {  	[dreg:$0x1d] =	wrdreg s26;
	s25 =	simm.s32 $0x14880;
	s6 =	sadd.s32 $0xC00, s6  }
0x21: {  	s26 =	simm.s32 $0x15080;
	[dreg:$0x3] =	wrdreg s6;
	s3 =	sadd.s32 s3, s4  }
0x22: {  	s1 =	ssub.s32 s1, s20;
	s4 =	simm.s32 $0x2080;
	[dreg:$0x4] =	wrdreg s3  }
0x23: {  	v2 =	vlaneseq.u32;
	s20 =	simm.s32 $0x12080;
	s6 =	simm.s32 $0x2880;
	[dreg:$0x8] =	wrdreg s4  }
0x24: {  	vm0 =	vmmov $0xffff;
	v1 =	vshrl.u32 v2, $0x3;
	[dreg:$0x9] =	wrdreg s6;
	s3 =	sadd.s32 $0xE00, s5;
	s4 =	sadd.s32 $0xF00, s5  }
0x25: {  	v0 =	vand.u32 $0x7, v2;
	v2 =	vor.u32 $0x8, v2;
	v1 =	vmul.u32 $0x8, v1;
	s5 =	sadd.s32 $0x1000, s5;
	s6 =	smax.u32 s1, $0x1;
	s1 =	simm.s32 $0x17880  }
.LBB2_1:
0x26: {  	s0 =	rddreg [dreg:$0x3]  }
0x27: {  	[tilespmem:s2], [sflag:$0x2] =	stream.linear.gather [hbm4b:s0+s2], $0x80, $0x38;
	[tilespmem:$0x18080] =	vst v63  }
0x28: {  	s10 =	rddreg [dreg:$0x4]  }
0x29: {  	[tilespmem:s7], [sflag:$0x1] =	stream.linear.gather [hbm4b:s10+s2], $0x18000, $0x38;
	[tilespmem:$0x18080] =	vst v63  }
0x2a: {  	_ =	swait.ge [sflag:s8], $0x80  }
0x2b: {  	[sflag:s8] =	ssyncset.done $0x0  }
0x2c: {  	[sflag:s8] =	ssyncadd.s32 $0xFFFFFF80  }
0x2d: {  	_ =	swait.ge [sflag:s9], $0x18000  }
0x2e: {  	[sflag:s9] =	ssyncset.done $0x0  }
0x2f: {  	[sflag:s9] =	ssyncadd.s32 $0xFFFE8000  }
0x30: {  	v3 =	vld [tilespmem:$0x0];
	_ =	sdelay $0x4  }
0x31: {  	v4 =	vshrl.u32 v3, $0x3  }
0x32: {  	v4 =	vmul.u32 $0x30, v4  }
0x33: {  	v3 =	vand.u32 $0x7, v3  }
0x34: {  	v3 =	vor.u32 v3, v4  }
0x35: {  	v4 =	vperm.xlane v3, v0;
	_ =	sdelay $0x1  }
0x36: {  	v4 =	vadd.s32 v1, v4;
	_ =	sdelay $0x3  }
0x37: {  	v3 =	vperm.xlane v3, v2  }
0x38: {  	[hbm4b:s3+s2] =	stream.indirect_vreg.scatter [tilespmem:s7], [sflag:$0x1], $0x80, v4, vm0, $0xb8;
	[tilespmem:$0x18080] =	vst v63  }
0x39: {  	s0 =	rddreg [dreg:$0x5];
	v3 =	vadd.s32 v1, v3  }
0x3a: {  	[hbm4b:s4+s2] =	stream.indirect_vreg.scatter [tilespmem:s0], [sflag:$0x1], $0x80, v4, vm0, $0xb8;
	[tilespmem:$0x18080] =	vst v63  }
0x3b: {  	s10 =	rddreg [dreg:$0x6]  }
0x3c: {  	[hbm4b:s5+s2] =	stream.indirect_vreg.scatter [tilespmem:s10], [sflag:$0x1], $0x80, v4, vm0, $0xb8;
	[tilespmem:$0x18080] =	vst v63  }
0x3d: {  	s0 =	rddreg [dreg:$0x7]  }
0x3e: {  	[hbm4b:s3+s2] =	stream.indirect_vreg.scatter [tilespmem:s0], [sflag:$0x1], $0x80, v3, vm0, $0xb8;
	[tilespmem:$0x18080] =	vst v63  }
0x3f: {  	s10 =	rddreg [dreg:$0x8]  }
0x40: {  	[hbm4b:s4+s2] =	stream.indirect_vreg.scatter [tilespmem:s10], [sflag:$0x1], $0x80, v3, vm0, $0xb8;
	[tilespmem:$0x18080] =	vst v63  }
0x41: {  	s0 =	rddreg [dreg:$0x9]  }
0x42: {  	[hbm4b:s5+s2] =	stream.indirect_vreg.scatter [tilespmem:s0], [sflag:$0x1], $0x80, v3, vm0, $0xb8;
	[tilespmem:$0x18080] =	vst v63  }
0x43: {  	v3 =	vld [tilespmem:$0x10];
	_ =	sdelay $0x4  }
0x44: {  	v57 =	vshrl.u32 v3, $0x3  }
0x45: {  	v4 =	vmul.u32 $0x30, v57  }
0x46: {  	v3 =	vand.u32 $0x7, v3  }
0x47: {  	v3 =	vor.u32 v3, v4  }
0x48: {  	v4 =	vperm.xlane v3, v0;
	_ =	sdelay $0x1  }
0x49: {  	v4 =	vadd.s32 v1, v4;
	_ =	sdelay $0x3  }
0x4a: {  	s0 =	rddreg [dreg:$0xa];
	v3 =	vperm.xlane v3, v2  }
0x4b: {  	[hbm4b:s3+s2] =	stream.indirect_vreg.scatter [tilespmem:s0], [sflag:$0x1], $0x80, v4, vm0, $0xb8;
	[tilespmem:$0x18080] =	vst v63  }
0x4c: {  	s10 =	rddreg [dreg:$0xb];
	v3 =	vadd.s32 v1, v3  }
0x4d: {  	[hbm4b:s4+s2] =	stream.indirect_vreg.scatter [tilespmem:s10], [sflag:$0x1], $0x80, v4, vm0, $0xb8;
	[tilespmem:$0x18080] =	vst v63  }
0x4e: {  	s0 =	rddreg [dreg:$0xc]  }
0x4f: {  	[hbm4b:s5+s2] =	stream.indirect_vreg.scatter [tilespmem:s0], [sflag:$0x1], $0x80, v4, vm0, $0xb8;
	[tilespmem:$0x18080] =	vst v63  }
0x50: {  	s10 =	rddreg [dreg:$0xd]  }
0x51: {  	[hbm4b:s3+s2] =	stream.indirect_vreg.scatter [tilespmem:s10], [sflag:$0x1], $0x80, v3, vm0, $0xb8;
	[tilespmem:$0x18080] =	vst v63  }
0x52: {  	s0 =	rddreg [dreg:$0xe]  }
0x53: {  	[hbm4b:s4+s2] =	stream.indirect_vreg.scatter [tilespmem:s0], [sflag:$0x1], $0x80, v3, vm0, $0xb8;
	[tilespmem:$0x18080] =	vst v63  }
0x54: {  	s10 =	rddreg [dreg:$0xf]  }
0x55: {  	[hbm4b:s5+s2] =	stream.indirect_vreg.scatter [tilespmem:s10], [sflag:$0x1], $0x80, v3, vm0, $0xb8;
	[tilespmem:$0x18080] =	vst v63  }
0x56: {  	v3 =	vld [tilespmem:$0x20];
	_ =	sdelay $0x4  }
0x57: {  	v58 =	vshrl.u32 v3, $0x3  }
0x58: {  	v4 =	vmul.u32 $0x30, v58  }
0x59: {  	v3 =	vand.u32 $0x7, v3  }
0x5a: {  	v3 =	vor.u32 v3, v4  }
0x5b: {  	v4 =	vperm.xlane v3, v0;
	_ =	sdelay $0x1  }
0x5c: {  	v4 =	vadd.s32 v1, v4;
	_ =	sdelay $0x3  }
0x5d: {  	s0 =	rddreg [dreg:$0x10];
	v3 =	vperm.xlane v3, v2  }
0x5e: {  	[hbm4b:s3+s2] =	stream.indirect_vreg.scatter [tilespmem:s0], [sflag:$0x1], $0x80, v4, vm0, $0xb8;
	[tilespmem:$0x18080] =	vst v63  }
0x5f: {  	s10 =	rddreg [dreg:$0x11];
	v3 =	vadd.s32 v1, v3  }
0x60: {  	[hbm4b:s4+s2] =	stream.indirect_vreg.scatter [tilespmem:s10], [sflag:$0x1], $0x80, v4, vm0, $0xb8;
	[tilespmem:$0x18080] =	vst v63  }
0x61: {  	s0 =	rddreg [dreg:$0x12]  }
0x62: {  	[hbm4b:s5+s2] =	stream.indirect_vreg.scatter [tilespmem:s0], [sflag:$0x1], $0x80, v4, vm0, $0xb8;
	[tilespmem:$0x18080] =	vst v63  }
0x63: {  	s10 =	rddreg [dreg:$0x13]  }
0x64: {  	[hbm4b:s3+s2] =	stream.indirect_vreg.scatter [tilespmem:s10], [sflag:$0x1], $0x80, v3, vm0, $0xb8;
	[tilespmem:$0x18080] =	vst v63  }
0x65: {  	s0 =	rddreg [dreg:$0x14]  }
0x66: {  	[hbm4b:s4+s2] =	stream.indirect_vreg.scatter [tilespmem:s0], [sflag:$0x1], $0x80, v3, vm0, $0xb8;
	[tilespmem:$0x18080] =	vst v63  }
0x67: {  	s10 =	rddreg [dreg:$0x15]  }
0x68: {  	[hbm4b:s5+s2] =	stream.indirect_vreg.scatter [tilespmem:s10], [sflag:$0x1], $0x80, v3, vm0, $0xb8;
	[tilespmem:$0x18080] =	vst v63  }
0x69: {  	v3 =	vld [tilespmem:$0x30];
	_ =	sdelay $0x4  }
0x6a: {  	v59 =	vshrl.u32 v3, $0x3  }
0x6b: {  	v4 =	vmul.u32 $0x30, v59  }
0x6c: {  	v3 =	vand.u32 $0x7, v3  }
0x6d: {  	v3 =	vor.u32 v3, v4  }
0x6e: {  	v4 =	vperm.xlane v3, v0;
	_ =	sdelay $0x1  }
0x6f: {  	v4 =	vadd.s32 v1, v4;
	_ =	sdelay $0x3  }
0x70: {  	s0 =	rddreg [dreg:$0x16];
	v3 =	vperm.xlane v3, v2  }
0x71: {  	[hbm4b:s3+s2] =	stream.indirect_vreg.scatter [tilespmem:s0], [sflag:$0x1], $0x80, v4, vm0, $0xb8;
	[tilespmem:$0x18080] =	vst v63  }
0x72: {  	s10 =	rddreg [dreg:$0x17];
	v3 =	vadd.s32 v1, v3  }
0x73: {  	[hbm4b:s4+s2] =	stream.indirect_vreg.scatter [tilespmem:s10], [sflag:$0x1], $0x80, v4, vm0, $0xb8;
	[tilespmem:$0x18080] =	vst v63  }
0x74: {  	s0 =	rddreg [dreg:$0x18]  }
0x75: {  	[hbm4b:s5+s2] =	stream.indirect_vreg.scatter [tilespmem:s0], [sflag:$0x1], $0x80, v4, vm0, $0xb8;
	[tilespmem:$0x18080] =	vst v63  }
0x76: {  	s10 =	rddreg [dreg:$0x19]  }
0x77: {  	[hbm4b:s3+s2] =	stream.indirect_vreg.scatter [tilespmem:s10], [sflag:$0x1], $0x80, v3, vm0, $0xb8;
	[tilespmem:$0x18080] =	vst v63  }
0x78: {  	s0 =	rddreg [dreg:$0x1a]  }
0x79: {  	[hbm4b:s4+s2] =	stream.indirect_vreg.scatter [tilespmem:s0], [sflag:$0x1], $0x80, v3, vm0, $0xb8;
	[tilespmem:$0x18080] =	vst v63  }
0x7a: {  	s10 =	rddreg [dreg:$0x1b]  }
0x7b: {  	[hbm4b:s5+s2] =	stream.indirect_vreg.scatter [tilespmem:s10], [sflag:$0x1], $0x80, v3, vm0, $0xb8;
	[tilespmem:$0x18080] =	vst v63  }
0x7c: {  	v3 =	vld [tilespmem:$0x40];
	_ =	sdelay $0x4  }
0x7d: {  	v60 =	vshrl.u32 v3, $0x3  }
0x7e: {  	v4 =	vmul.u32 $0x30, v60  }
0x7f: {  	v3 =	vand.u32 $0x7, v3  }
0x80: {  	v3 =	vor.u32 v3, v4  }
0x81: {  	v4 =	vperm.xlane v3, v0;
	_ =	sdelay $0x1  }
0x82: {  	v4 =	vadd.s32 v1, v4;
	_ =	sdelay $0x3  }
0x83: {  	s0 =	rddreg [dreg:$0x1c];
	v3 =	vperm.xlane v3, v2  }
0x84: {  	[hbm4b:s3+s2] =	stream.indirect_vreg.scatter [tilespmem:s0], [sflag:$0x1], $0x80, v4, vm0, $0xb8;
	[tilespmem:$0x18080] =	vst v63  }
0x85: {  	s10 =	rddreg [dreg:$0x1d];
	v3 =	vadd.s32 v1, v3  }
0x86: {  	[hbm4b:s4+s2] =	stream.indirect_vreg.scatter [tilespmem:s10], [sflag:$0x1], $0x80, v4, vm0, $0xb8;
	[tilespmem:$0x18080] =	vst v63  }
0x87: {  	s10 =	simm.s32 $0xD080  }
0x88: {  	[hbm4b:s5+s2] =	stream.indirect_vreg.scatter [tilespmem:s10], [sflag:$0x1], $0x80, v4, vm0, $0xb8;
	[tilespmem:$0x18080] =	vst v63  }
0x89: {  	_ = 	snop  }
0x8a: {  	[hbm4b:s3+s2] =	stream.indirect_vreg.scatter [tilespmem:s11], [sflag:$0x1], $0x80, v3, vm0, $0xb8;
	[tilespmem:$0x18080] =	vst v63  }
0x8b: {  	_ = 	snop  }
0x8c: {  	[hbm4b:s4+s2] =	stream.indirect_vreg.scatter [tilespmem:s12], [sflag:$0x1], $0x80, v3, vm0, $0xb8;
	[tilespmem:$0x18080] =	vst v63  }
0x8d: {  	_ = 	snop  }
0x8e: {  	[hbm4b:s5+s2] =	stream.indirect_vreg.scatter [tilespmem:s13], [sflag:$0x1], $0x80, v3, vm0, $0xb8;
	[tilespmem:$0x18080] =	vst v63  }
0x8f: {  	v3 =	vld [tilespmem:$0x50];
	_ =	sdelay $0x4  }
0x90: {  	v61 =	vshrl.u32 v3, $0x3  }
0x91: {  	v4 =	vmul.u32 $0x30, v61  }
0x92: {  	v3 =	vand.u32 $0x7, v3  }
0x93: {  	v3 =	vor.u32 v3, v4  }
0x94: {  	v4 =	vperm.xlane v3, v0;
	_ =	sdelay $0x1  }
0x95: {  	v4 =	vadd.s32 v1, v4;
	_ =	sdelay $0x3  }
0x96: {  	v3 =	vperm.xlane v3, v2  }
0x97: {  	[hbm4b:s3+s2] =	stream.indirect_vreg.scatter [tilespmem:s14], [sflag:$0x1], $0x80, v4, vm0, $0xb8;
	[tilespmem:$0x18080] =	vst v63  }
0x98: {  	v3 =	vadd.s32 v1, v3  }
0x99: {  	[hbm4b:s4+s2] =	stream.indirect_vreg.scatter [tilespmem:s15], [sflag:$0x1], $0x80, v4, vm0, $0xb8;
	[tilespmem:$0x18080] =	vst v63  }
0x9a: {  	_ = 	snop  }
0x9b: {  	[hbm4b:s5+s2] =	stream.indirect_vreg.scatter [tilespmem:s16], [sflag:$0x1], $0x80, v4, vm0, $0xb8;
	[tilespmem:$0x18080] =	vst v63  }
0x9c: {  	_ = 	snop  }
0x9d: {  	[hbm4b:s3+s2] =	stream.indirect_vreg.scatter [tilespmem:s17], [sflag:$0x1], $0x80, v3, vm0, $0xb8;
	[tilespmem:$0x18080] =	vst v63  }
0x9e: {  	_ = 	snop  }
0x9f: {  	[hbm4b:s4+s2] =	stream.indirect_vreg.scatter [tilespmem:s18], [sflag:$0x1], $0x80, v3, vm0, $0xb8;
	[tilespmem:$0x18080] =	vst v63  }
0xa0: {  	_ = 	snop  }
0xa1: {  	[hbm4b:s5+s2] =	stream.indirect_vreg.scatter [tilespmem:s19], [sflag:$0x1], $0x80, v3, vm0, $0xb8;
	[tilespmem:$0x18080] =	vst v63  }
0xa2: {  	v3 =	vld [tilespmem:$0x60];
	_ =	sdelay $0x4  }
0xa3: {  	v62 =	vshrl.u32 v3, $0x3  }
0xa4: {  	v4 =	vmul.u32 $0x30, v62  }
0xa5: {  	v3 =	vand.u32 $0x7, v3  }
0xa6: {  	v3 =	vor.u32 v3, v4  }
0xa7: {  	v4 =	vperm.xlane v3, v0;
	_ =	sdelay $0x1  }
0xa8: {  	v4 =	vadd.s32 v1, v4;
	_ =	sdelay $0x3  }
0xa9: {  	v3 =	vperm.xlane v3, v2  }
0xaa: {  	[hbm4b:s3+s2] =	stream.indirect_vreg.scatter [tilespmem:s20], [sflag:$0x1], $0x80, v4, vm0, $0xb8;
	[tilespmem:$0x18080] =	vst v63  }
0xab: {  	v3 =	vadd.s32 v1, v3  }
0xac: {  	[hbm4b:s4+s2] =	stream.indirect_vreg.scatter [tilespmem:s21], [sflag:$0x1], $0x80, v4, vm0, $0xb8;
	[tilespmem:$0x18080] =	vst v63  }
0xad: {  	_ = 	snop  }
0xae: {  	[hbm4b:s5+s2] =	stream.indirect_vreg.scatter [tilespmem:s22], [sflag:$0x1], $0x80, v4, vm0, $0xb8;
	[tilespmem:$0x18080] =	vst v63  }
0xaf: {  	_ = 	snop  }
0xb0: {  	[hbm4b:s3+s2] =	stream.indirect_vreg.scatter [tilespmem:s23], [sflag:$0x1], $0x80, v3, vm0, $0xb8;
	[tilespmem:$0x18080] =	vst v63  }
0xb1: {  	_ = 	snop  }
0xb2: {  	[hbm4b:s4+s2] =	stream.indirect_vreg.scatter [tilespmem:s24], [sflag:$0x1], $0x80, v3, vm0, $0xb8;
	[tilespmem:$0x18080] =	vst v63  }
0xb3: {  	_ = 	snop  }
0xb4: {  	[hbm4b:s5+s2] =	stream.indirect_vreg.scatter [tilespmem:s25], [sflag:$0x1], $0x80, v3, vm0, $0xb8;
	[tilespmem:$0x18080] =	vst v63  }
0xb5: {  	v3 =	vld [tilespmem:$0x70];
	_ =	sdelay $0x4  }
0xb6: {  	v63 =	vshrl.u32 v3, $0x3  }
0xb7: {  	v4 =	vmul.u32 $0x30, v63  }
0xb8: {  	v3 =	vand.u32 $0x7, v3  }
0xb9: {  	v3 =	vor.u32 v3, v4  }
0xba: {  	v4 =	vperm.xlane v3, v0;
	_ =	sdelay $0x1  }
0xbb: {  	v4 =	vadd.s32 v1, v4;
	_ =	sdelay $0x3  }
0xbc: {  	v3 =	vperm.xlane v3, v2  }
0xbd: {  	[hbm4b:s3+s2] =	stream.indirect_vreg.scatter [tilespmem:s26], [sflag:$0x1], $0x80, v4, vm0, $0xb8;
	[tilespmem:$0x18080] =	vst v63  }
0xbe: {  	v3 =	vadd.s32 v1, v3  }
0xbf: {  	[hbm4b:s4+s2] =	stream.indirect_vreg.scatter [tilespmem:s28], [sflag:$0x1], $0x80, v4, vm0, $0xb8;
	[tilespmem:$0x18080] =	vst v63  }
0xc0: {  	_ = 	snop  }
0xc1: {  	[hbm4b:s5+s2] =	stream.indirect_vreg.scatter [tilespmem:s29], [sflag:$0x1], $0x80, v4, vm0, $0xb8;
	[tilespmem:$0x18080] =	vst v63  }
0xc2: {  	_ = 	snop  }
0xc3: {  	[hbm4b:s3+s2] =	stream.indirect_vreg.scatter [tilespmem:s30], [sflag:$0x1], $0x80, v3, vm0, $0xb8;
	[tilespmem:$0x18080] =	vst v63  }
0xc4: {  	p0 =	sne.s32 s6, $0x1  }
0xc5: {  	[hbm4b:s4+s2] =	stream.indirect_vreg.scatter [tilespmem:s31], [sflag:$0x1], $0x80, v3, vm0, $0xb8;
	[tilespmem:$0x18080] =	vst v63  }
.Ltmp0:
0xc6: {  	_ = 	snop;
	(pc) =	sbr.rel @p0 .LBB2_1-.Ltmp0, $4  }
0xc7: {  	[hbm4b:s5+s2] =	stream.indirect_vreg.scatter [tilespmem:s1], [sflag:$0x1], $0x80, v3, vm0, $0xb8;
	[tilespmem:$0x18080] =	vst v63  }
0xc8: {  	_ =	swait.ge [sflag:s9], $0x18000  }
0xc9: {  	[sflag:s9] =	ssyncset.done $0x0  }
0xca: {  	s6 =	sadd.s32 $0xFFFFFFFF, s6;
	[sflag:s9] =	ssyncadd.s32 $0xFFFE8000  }
0xcb: {  	_ =	sfence.sel $0x180000  }
0xcc: {  	[bflag:$0x0] =	sbarrier.arrive $0xFFFF  }
0xcd: {  	_ =	strace $0x90000047  }
0xce: {  	s0 =	stileid.u32;
	[bflag:$0x2] =	sbarrier.arrive $0xFFFF  }
0xcf: {  	p0 =	sne.s32 s0, $0x0;
	s0 =	rddreg [dreg:$0x2]  }
0xd0: {  	s0 =	sadd.s32 @!p0 $0x100000, s0  }
0xd1: {  	[sflag:s0] =	ssyncadd.tile.s32 @!p0 $0x1;
	_ =	shalt  }
.Lfunc_end2:
_tile_overlayer_lowered:
.L_overlay_start_2:
0xd2: {  	(tag) =	ssettag $0x2  }
0xd3: {  	s0 =	rddreg [dreg:$0x0];
	s2 =	stileid.u32  }
0xd4: {  	s1 =	rddreg [dreg:$0x1];
	p0 =	sne.s32 s2, $0x0  }
0xd5: {  	s3 =	rddreg [dreg:$0x2];
	[bflag:$0x3] =	sbarrier.arrive $0xFFFF;
	s2 =	simm.s32 @!p0 $0x1C03  }
0xd6: {  	[timem:s3], [sflag:s2] =	dma.local @!p0 [hbm:s0], s1  }
0xd7: {  	s0 =	simm.s32 @!p0 $0x3  }
0xd8: {  	_ =	swait.ge @!p0 [sflag:s0], s1  }
0xd9: {  	s1 =	ssub.s32 @!p0 $0x0, s1;
	[sflag:s0] =	ssyncset.done @!p0 $0x0  }
0xda: {  	[sflag:s0] =	ssyncadd.s32 @!p0 s1  }
0xdb: {  	[bflag:$0x3] =	sbarrier.arrive $0xFFFF  }
0xdc: {  	_ =	shalt  }

// kernel: kernel.9.cloned.1.call-start
scs
__scs_entry_jumppad:
0x0: {  	(pc) =	sbr.rel $0x88, $3  }
0x1: {  	(tag) =	ssettag $0x0;
	lr =	simm.s32 $0x1  }
0x2: {  	[smem:$0x3F97] =	sst lr;
	_ =	strace $0xD0000000  }
0x3: {  	_ = 	snop  }
0x4: {  	_ = 	snop  }
0x5: {  	_ = 	snop  }
0x6: {  	_ = 	snop  }
0x7: {  	_ = 	snop  }
__scs_overlays_trampoline_lowered:
0x8: {  	[smem:$0x3FA6] =	sst s0  }
0x9: {  	[smem:$0x3FA7] =	sst s1  }
0xa: {  	[smem:$0x3FA8] =	sst s2  }
0xb: {  	[smem:$0x3FA9] =	sst s3  }
0xc: {  	[smem:$0x3FAA] =	sst s4  }
0xd: {  	[smem:$0x3FAB] =	sst s5  }
0xe: {  	[smem:$0x3FAC] =	sst s6  }
0xf: {  	[smem:$0x3FAD] =	sst s7  }
0x10: {  	[smem:$0x3FAE] =	sst s8  }
0x11: {  	[smem:$0x3FAF] =	sst s9;
	s0 =	simm.s32 @!p0 $0x0  }
0x12: {  	s1 =	sld [smem:$0x3F95];
	s0 =	simm.s32 @p0 $0x1  }
0x13: {  	[smem:$0x3FB0] =	sst s0;
	s0 =	simm.s32 @!p1 $0x0  }
0x14: {  	s2 =	sld [smem:$0x3F94];
	s0 =	simm.s32 @p1 $0x1  }
0x15: {  	[smem:$0x3FB1] =	sst s0;
	s0 =	simm.s32 @!p2 $0x0  }
0x16: {  	s3 =	sld [smem:$0x3FDB];
	s0 =	simm.s32 @p2 $0x1  }
0x17: {  	s4 =	simm.s32 $0x1BF5;
	[smem:$0x3FB3] =	sst s0  }
0x18: {  	s0 =	sld [smem:$0x3F96];
	_ =	swait.ge [sflag:s4], $0x0  }
0x19: {  	s7 =	sld [smem:$0x3F97]  }
0x1a: {  	s8 =	sadd.s32 $0xFFFFE003, lr  }
0x1b: {  	s9 =	sadd.s32 $0xFFFFFEF7, lr;
	s5 =	simm.s32 $0xFFFFFFFF;
	p2 =	slt.u32 s8, $0xFFFFF086  }
0x1c: {  	p1 =	slt.u32 s9, $0xF7A;
	s5 =	simm.s32 @!p2 $0x0  }
0x1d: {  	s5 =	simm.s32 @p1 $0x1;
	p0 =	seq.s32 s7, s2  }
0x1e: {  	s7 =	smul.u32 @!p0 $0xF7A, s2;
	p2 =	seq.s32 @!p0 s5, $0x0  }
0x1f: {  	s9 =	smul.u32 $0xF7A, s1;
	s8 =	simm.s32 @!p0 $0x1BF5;
	p2 =	por !p2, p0  }
0x20: {  	[sflag:s8] =	ssyncset.s32 @!p0 $0xFFFFF086;
	s6 =	sadd.s32 @!p0 s3, s7;
	s7 =	simm.s32 @!p0 $0x108  }
0x21: {  	s3 =	sadd.s32 s3, s9;
	s6 =	sadd.s32 @!p0 $0x88, s6;
	s7 =	simm.s32 @p2 $0x1082  }
0x22: {  	[simem:s7], [sflag:s8] =	dma.local @!p0 [hbm:s6], $0xF7A  }
0x23: {  	s9 =	sor.u32 $0xD0000000, s2;
	s6 =	simm.s32 $0x108;
	_ =	swait.ge @!p0 [sflag:s8], $0x0  }
0x24: {  	s3 =	sadd.s32 $0x88, s3;
	s6 =	simm.s32 @!p1 $0x1082;
	[sflag:s4] =	ssyncset.s32 $0xFFFFF086  }
0x25: {  	[simem:s6], [sflag:s4] =	dma.local [hbm:s3], $0xF7A  }
0x26: {  	[smem:$0x3F97] =	sst s1;
	(tag) =	ssettag s2;
	_ =	strace s9  }
0x27: {  	s1 =	sld [smem:$0x3FA7]  }
0x28: {  	s2 =	sld [smem:$0x3FA8]  }
0x29: {  	s4 =	sld [smem:$0x3FAA]  }
0x2a: {  	p0 =	seq.s32 s5, $0x0;
	s5 =	sld [smem:$0x3FAB]  }
0x2b: {  	s6 =	sld [smem:$0x3FAC]  }
0x2c: {  	s7 =	sld [smem:$0x3FAD]  }
0x2d: {  	s3 =	simm.s32 $0x108;
	s8 =	sld [smem:$0x3FAE]  }
0x2e: {  	s3 =	simm.s32 @!p0 $0x1082;
	s9 =	sld [smem:$0x3FAF]  }
0x2f: {  	lr =	sadd.s32 s0, s3;
	s0 =	sld [smem:$0x3FA6]  }
0x30: {  	s3 =	sld [smem:$0x3FA9]  }
0x31: {  	[smem:$0x3FB2] =	sst s10  }
0x32: {  	s10 =	sld [smem:$0x3FB0];
	_ =	sdelay $0x3  }
0x33: {  	p0 =	seq.s32 s10, $0x1;
	s10 =	sld [smem:$0x3FB2];
	_ =	sdelay $0x3  }
0x34: {  	[smem:$0x3FB2] =	sst s10  }
0x35: {  	s10 =	sld [smem:$0x3FB1];
	_ =	sdelay $0x3  }
0x36: {  	p1 =	seq.s32 s10, $0x1;
	s10 =	sld [smem:$0x3FB2];
	_ =	sdelay $0x3  }
0x37: {  	[smem:$0x3FB2] =	sst s10  }
0x38: {  	s10 =	sld [smem:$0x3FB3]  }
0x39: {  	_ = 	snop;
	(pc) =	sbr.ind lr, $3  }
0x3a: {  	_ = 	snop  }
0x3b: {  	_ = 	snop  }
0x3c: {  	p2 =	seq.s32 s10, $0x1;
	s10 =	sld [smem:$0x3FB2]  }
0x3d: {  	_ =	shalt  }
0x3e: {  	_ =	shalt  }
0x3f: {  	_ =	shalt  }
0x40: {  	_ =	shalt  }
0x41: {  	_ =	shalt  }
0x42: {  	_ =	shalt  }
0x43: {  	_ =	shalt  }
0x44: {  	_ =	shalt  }
0x45: {  	_ =	shalt  }
0x46: {  	_ =	shalt  }
0x47: {  	_ =	shalt  }
0x48: {  	_ =	shalt  }
0x49: {  	_ =	shalt  }
0x4a: {  	_ =	shalt  }
0x4b: {  	_ =	shalt  }
0x4c: {  	_ =	shalt  }
0x4d: {  	_ =	shalt  }
0x4e: {  	_ =	shalt  }
0x4f: {  	_ =	shalt  }
0x50: {  	_ =	shalt  }
0x51: {  	_ =	shalt  }
0x52: {  	_ =	shalt  }
0x53: {  	_ =	shalt  }
0x54: {  	_ =	shalt  }
0x55: {  	_ =	shalt  }
0x56: {  	_ =	shalt  }
0x57: {  	_ =	shalt  }
0x58: {  	_ =	shalt  }
0x59: {  	_ =	shalt  }
0x5a: {  	_ =	shalt  }
0x5b: {  	_ =	shalt  }
0x5c: {  	_ =	shalt  }
0x5d: {  	_ =	shalt  }
0x5e: {  	_ =	shalt  }
0x5f: {  	_ =	shalt  }
0x60: {  	_ =	shalt  }
0x61: {  	_ =	shalt  }
0x62: {  	_ =	shalt  }
0x63: {  	_ =	shalt  }
0x64: {  	_ =	shalt  }
0x65: {  	_ =	shalt  }
0x66: {  	_ =	shalt  }
0x67: {  	_ =	shalt  }
0x68: {  	_ =	shalt  }
0x69: {  	_ =	shalt  }
0x6a: {  	_ =	shalt  }
0x6b: {  	_ =	shalt  }
0x6c: {  	_ =	shalt  }
0x6d: {  	_ =	shalt  }
0x6e: {  	_ =	shalt  }
0x6f: {  	_ =	shalt  }
0x70: {  	_ =	shalt  }
0x71: {  	_ =	shalt  }
0x72: {  	_ =	shalt  }
0x73: {  	_ =	shalt  }
0x74: {  	_ =	shalt  }
0x75: {  	_ =	shalt  }
0x76: {  	_ =	shalt  }
0x77: {  	_ =	shalt  }
0x78: {  	_ =	shalt  }
0x79: {  	_ =	shalt  }
0x7a: {  	_ =	shalt  }
0x7b: {  	_ =	shalt  }
0x7c: {  	_ =	shalt  }
0x7d: {  	_ =	shalt  }
0x7e: {  	_ =	shalt  }
0x7f: {  	_ =	shalt  }
0x80: {  	_ =	shalt  }
0x81: {  	_ =	shalt  }
0x82: {  	_ =	shalt  }
0x83: {  	_ =	shalt  }
0x84: {  	_ =	shalt  }
0x85: {  	_ =	shalt  }
0x86: {  	_ =	shalt  }
0x87: {  	_ =	shalt  }
.Lfunc_end0:
.L_simem_size_0:
called_computation.1_lowered:
.L_overlay_start_0:
0x88: {  	s2 =	sld [smem:$0x3FD9]  }
0x89: {  	s3 =	sld [smem:$0x3FFE];
	_ =	sdelay $0x1  }
0x8a: {  	s1 =	srdreg.scid  }
0x8b: {  	s0 =	sand.u32 $0x1, s1  }
0x8c: {  	s17 =	sshll.u32 s0, $0xA;
	s2 =	sadd.s32 s3, s2  }
0x8d: {  	s2 =	sadd.s32 s2, s17  }
0x8e: {  	[smem:$0x3FBE] =	sst s2  }
0x8f: {  	_ = 	snop  }
0x90: {  	s2 =	sld [smem:$0x3FD0];
	(tm) =	ssettm $0x1  }
0x91: {  	s18 =	sld [smem:$0x3FFB];
	_ =	sdelay $0x3  }
0x92: {  	_ =	strace s18  }
0x93: {  	s3 =	sld [smem:$0x3FFC];
	_ =	sdelay $0x3  }
0x94: {  	_ =	strace s3  }
0x95: {  	s3 =	sld [smem:$0x3FFD];
	_ =	sdelay $0x3  }
0x96: {  	_ =	strace s3  }
0x97: {  	_ =	strace $0x8FFFFFFF  }
0x98: {  	s19 =	sld [smem:$0x3FDB];
	_ =	sdelay $0x1  }
0x99: {  	s4 =	simm.s32 $_scs_section_size  }
0x9a: {  	s5 =	simm.s32 $_size__tile_overlayer_lowered;
	s6 =	simm.s32 $_tile_overlayer_lowered  }
0x9b: {  	s22 =	simm.s32 $0x1BFF;
	s21 =	sshll.u32 s6, $0x1;
	s3 =	sadd.s32 s4, s19  }
0x9c: {  	s7 =	simm.s32 $0x0;
	s20 =	sshll.u32 s5, $0x1;
	s5 =	sadd.s32 s21, s3  }
0x9d: {  	[timem:s7], [sflag:s22] =	dma.local [hbm:s5], s20  }
0x9e: {  	_ =	swait.ge [sflag:s22], s20  }
0x9f: {  	s4 =	ssub.s32 $0x0, s20;
	[sflag:s22] =	ssyncset.done $0x0  }
0xa0: {  	[sflag:s22] =	ssyncadd.s32 s4;
	_ =	sdelay $0x1  }
0xa1: {  	s23 =	simm.s32 $0x1B8B  }
0xa2: {  	_ =	swait.ge [sflag:s23], $0x1  }
0xa3: {  	[sflag:s23] =	ssyncset.done $0x0  }
0xa4: {  	s25 =	simm.s32 $0x1B8E;
	s24 =	sld [smem:$0x3FFE];
	[sflag:s23] =	ssyncadd.s32 $0xFFFFFFFF  }
0xa5: {  	s26 =	simm.s32 $execute0_lowered;
	[smem:$0x3FD2] =	sst s25  }
0xa6: {  	s5 =	sshll.u32 s26, $0x1;
	_ =	strace $0x80000049;
	[dreg:$0x1] =	wrdreg $0xFFFFFFFF  }
0xa7: {  	s28 =	simm.s32 $_size_execute0_lowered;
	s3 =	sadd.s32 s3, s5;
	[dreg:$0x0] =	wrdreg $0x0  }
0xa8: {  	s5 =	sshll.u32 s28, $0x1;
	[dreg:$0x2] =	wrdreg s3  }
0xa9: {  	[dreg:$0x3] =	wrdreg s5  }
0xaa: {  	[dreg:$0x4] =	wrdreg $0xC0  }
0xab: {  	_ =	task [dreg:s7], $0x5FFFF  }
0xac: {  	[dreg:$0x1] =	wrdreg $0xFFFFFFFF  }
0xad: {  	[dreg:$0x0] =	wrdreg $0x60  }
0xae: {  	[dreg:$0x2] =	wrdreg s24  }
0xaf: {  	[dreg:$0x3] =	wrdreg s2  }
0xb0: {  	[dreg:$0x4] =	wrdreg $0x9  }
0xb1: {  	_ =	task.clear_ibuf [dreg:s7], $0x5FFFF;
	_ =	strace $0x90000049  }
0xb2: {  	s29 =	simm.s32 $0x9;
	_ =	strace $0x8000004B  }
0xb3: {  	_ =	swait.ge [sflag:s29], $0x1  }
0xb4: {  	[sflag:s29] =	ssyncadd.s32 $0xFFFFFFFF  }
0xb5: {  	_ =	strace $0x9000004B  }
0xb6: {  	_ =	sfence  }
0xb7: {  	s30 =	sld [smem:$0x0];
	_ =	sdelay $0x2  }
0xb8: {  	s31 =	sshll.u32 s1, $0xD;
	s1 =	sshrl.u32 s1, $0x2  }
0xb9: {  	s3 =	sand.u32 $0x4000, s31;
	s1 =	sadd.s32 s1, s30  }
0xba: {  	s0 =	sor.u32 s3, s0;
	s1 =	sshll.u32 s1, $0x11  }
0xbb: {  	s0 =	sor.u32 s1, s0  }
0xbc: {  	s0 =	sadd.s32 $0x8F2B, s0  }
0xbd: {  	[sflag:s0] =	ssyncadd.remote.s32 $0x1  }
0xbe: {  	_ =	sfence.sel $0xFFFF  }
0xbf: {  	[dreg:$0x0] =	wrdreg $0xFFFFFFFF;
	(pc) =	sbr.abs _section_cstart, $3  }
0xc0: {  	[dreg:$0x1] =	wrdreg $0xFFFFFFFF  }
0xc1: {  	_ =	task.clear_ibuf [dreg:s7], $0x2FFFF;
	_ =	strace $0x9FFFFFFF  }
0xc2: {  	(tm) =	ssettm $0x7FFFFFFF  }
0xc3: {  	_ =	shalt  }
tec
execute0_lowered:
.L_overlay_start_1:
0x0: {  	(tag) =	ssettag $0x1  }
0x1: {  	s2 =	srdreg.scid;
	s1 =	rddreg [dreg:$0x0]  }
0x2: {  	s3 =	rddreg [dreg:$0x1];
	s4 =	sand.u32 $0x1, s2;
	s2 =	simm.s32 $0x0  }
0x3: {  	s0 =	stileid.u32;
	s25 =	simm.s32 $0x880;
	[smem:$0x7FF] =	sst s2  }
0x4: {  	s26 =	simm.s32 $0x1080;
	_ =	strace $0x8000004A;
	[dreg:$0x5] =	wrdreg s25  }
0x5: {  	s5 =	sshll.u32 s0, $0x5;
	s0 =	simm.s32 $0x1880;
	[dreg:$0x6] =	wrdreg s26  }
0x6: {  	s7 =	simm.s32 $0x3080;
	[dreg:$0x7] =	wrdreg s0  }
0x7: {  	s8 =	simm.s32 $0x3880;
	[dreg:$0xa] =	wrdreg s7  }
0x8: {  	s9 =	simm.s32 $0x4080;
	[dreg:$0xb] =	wrdreg s8  }
0x9: {  	s10 =	simm.s32 $0x4880;
	[dreg:$0xc] =	wrdreg s9  }
0xa: {  	s11 =	simm.s32 $0x5080;
	[dreg:$0xd] =	wrdreg s10  }
0xb: {  	s12 =	simm.s32 $0x5880;
	[dreg:$0xe] =	wrdreg s11  }
0xc: {  	s13 =	simm.s32 $0x6080;
	[dreg:$0xf] =	wrdreg s12  }
0xd: {  	s14 =	simm.s32 $0x6880;
	[dreg:$0x10] =	wrdreg s13  }
0xe: {  	s15 =	simm.s32 $0x7080;
	[dreg:$0x11] =	wrdreg s14  }
0xf: {  	s16 =	simm.s32 $0x7880;
	s17 =	simm.s32 $0x8080;
	[dreg:$0x12] =	wrdreg s15  }
0x10: {  	s18 =	simm.s32 $0x8880;
	s19 =	simm.s32 $0x9080;
	[dreg:$0x13] =	wrdreg s16  }
0x11: {  	s21 =	simm.s32 $0x9880;
	s22 =	simm.s32 $0xA080;
	[dreg:$0x14] =	wrdreg s17  }
0x12: {  	s23 =	simm.s32 $0xB080;
	s24 =	simm.s32 $0xB880;
	[dreg:$0x15] =	wrdreg s18  }
0x13: {  	s28 =	simm.s32 $0x16080;
	s29 =	simm.s32 $0x16880;
	[dreg:$0x16] =	wrdreg s19  }
0x14: {  	s30 =	simm.s32 $0x17080;
	s31 =	simm.s32 $0x17880;
	[dreg:$0x17] =	wrdreg s21  }
0x15: {  	s6 =	sshll.u32 s4, $0x4;
	s4 =	ssub.s32 $0x2, s4;
	[dreg:$0x18] =	wrdreg s22  }
0x16: {  	s5 =	sor.u32 s6, s5;
	s20 =	sshrl.u32 s4, $0x1;
	[dreg:$0x1a] =	wrdreg s23  }
0x17: {  	s7 =	simm.s32 $0xA880;
	[dreg:$0x1b] =	wrdreg s24;
	s25 =	simm.s32 $0xC080  }
0x18: {  	s8 =	simm.s32 $0x80;
	s26 =	simm.s32 $0xC880;
	s10 =	simm.s32 $0xD880  }
0x19: {  	s11 =	simm.s32 $0xE080;
	s12 =	simm.s32 $0xE880;
	s13 =	simm.s32 $0xF080  }
0x1a: {  	s14 =	simm.s32 $0xF880;
	s15 =	simm.s32 $0x10080;
	s16 =	simm.s32 $0x10880  }
0x1b: {  	s17 =	simm.s32 $0x11080;
	s18 =	simm.s32 $0x11880;
	s19 =	simm.s32 $0x12080  }
0x1c: {  	s21 =	simm.s32 $0x13080;
	s22 =	simm.s32 $0x13880;
	[dreg:$0x19] =	wrdreg s7  }
0x1d: {  	s6 =	sadd.s32 s5, s1;
	s5 =	smul.u32 $0x300, s5;
	[dreg:$0x1c] =	wrdreg s25  }
0x1e: {  	s23 =	simm.s32 $0x14080;
	[dreg:$0x1d] =	wrdreg s26;
	s6 =	sadd.s32 $0xC00, s6  }
0x1f: {  	s24 =	simm.s32 $0x14880;
	[dreg:$0x3] =	wrdreg s6;
	s3 =	sadd.s32 s3, s5  }
0x20: {  	s7 =	simm.s32 $0x2;
	s5 =	simm.s32 $0x2080;
	[dreg:$0x4] =	wrdreg s3  }
0x21: {  	s25 =	simm.s32 $0x15080;
	s6 =	simm.s32 $0x2880;
	[dreg:$0x8] =	wrdreg s5  }
0x22: {  	v2 =	vlaneseq.u32;
	s26 =	simm.s32 $0x15880;
	[dreg:$0x9] =	wrdreg s6;
	s3 =	sadd.s32 $0xE00, s1  }
0x23: {  	vm0 =	vmmov $0xffff;
	v1 =	vshrl.u32 v2, $0x3;
	s6 =	ssub.s32 s4, s20;
	s4 =	sadd.s32 $0xF00, s1;
	s5 =	sadd.s32 $0x1000, s1  }
0x24: {  	v0 =	vand.u32 $0x7, v2;
	v2 =	vor.u32 $0x8, v2;
	v1 =	vmul.u32 $0x8, v1;
	s20 =	simm.s32 $0x12880;
	s1 =	simm.s32 $0x1;
	s6 =	smax.u32 s6, $0x1  }
.LBB2_1:
0x25: {  	s0 =	rddreg [dreg:$0x3]  }
0x26: {  	[tilespmem:s2], [sflag:$0x2] =	stream.linear.gather [hbm4b:s0+s2], $0x80, $0x38;
	[tilespmem:$0x18080] =	vst v63  }
0x27: {  	_ =	swait.ge [sflag:s7], $0x80  }
0x28: {  	[sflag:s7] =	ssyncset.done $0x0  }
0x29: {  	[sflag:s7] =	ssyncadd.s32 $0xFFFFFF80  }
0x2a: {  	v3 =	vld [tilespmem:$0x0];
	_ =	sdelay $0x4  }
0x2b: {  	v4 =	vshrl.u32 v3, $0x3  }
0x2c: {  	v4 =	vmul.u32 $0x30, v4  }
0x2d: {  	v3 =	vand.u32 $0x7, v3  }
0x2e: {  	v3 =	vor.u32 v3, v4  }
0x2f: {  	v4 =	vperm.xlane v3, v0;
	_ =	sdelay $0x1  }
0x30: {  	v4 =	vadd.s32 v1, v4;
	_ =	sdelay $0x3  }
0x31: {  	v3 =	vperm.xlane v3, v2  }
0x32: {  	[tilespmem:s8], [sflag:$0x1] =	stream.indirect_vreg.gather [hbm4b:s3+s2], $0x80, v4, vm0, $0xb8;
	[tilespmem:$0x18080] =	vst v63  }
0x33: {  	s0 =	rddreg [dreg:$0x5];
	v3 =	vadd.s32 v1, v3  }
0x34: {  	[tilespmem:s0], [sflag:$0x1] =	stream.indirect_vreg.gather [hbm4b:s4+s2], $0x80, v4, vm0, $0xb8;
	[tilespmem:$0x18080] =	vst v63  }
0x35: {  	s9 =	rddreg [dreg:$0x6]  }
0x36: {  	[tilespmem:s9], [sflag:$0x1] =	stream.indirect_vreg.gather [hbm4b:s5+s2], $0x80, v4, vm0, $0xb8;
	[tilespmem:$0x18080] =	vst v63  }
0x37: {  	s0 =	rddreg [dreg:$0x7]  }
0x38: {  	[tilespmem:s0], [sflag:$0x1] =	stream.indirect_vreg.gather [hbm4b:s3+s2], $0x80, v3, vm0, $0xb8;
	[tilespmem:$0x18080] =	vst v63  }
0x39: {  	s9 =	rddreg [dreg:$0x8]  }
0x3a: {  	[tilespmem:s9], [sflag:$0x1] =	stream.indirect_vreg.gather [hbm4b:s4+s2], $0x80, v3, vm0, $0xb8;
	[tilespmem:$0x18080] =	vst v63  }
0x3b: {  	s0 =	rddreg [dreg:$0x9]  }
0x3c: {  	[tilespmem:s0], [sflag:$0x1] =	stream.indirect_vreg.gather [hbm4b:s5+s2], $0x80, v3, vm0, $0xb8;
	[tilespmem:$0x18080] =	vst v63  }
0x3d: {  	v3 =	vld [tilespmem:$0x10];
	_ =	sdelay $0x4  }
0x3e: {  	v57 =	vshrl.u32 v3, $0x3  }
0x3f: {  	v4 =	vmul.u32 $0x30, v57  }
0x40: {  	v3 =	vand.u32 $0x7, v3  }
0x41: {  	v3 =	vor.u32 v3, v4  }
0x42: {  	v4 =	vperm.xlane v3, v0;
	_ =	sdelay $0x1  }
0x43: {  	v4 =	vadd.s32 v1, v4;
	_ =	sdelay $0x3  }
0x44: {  	s0 =	rddreg [dreg:$0xa];
	v3 =	vperm.xlane v3, v2  }
0x45: {  	[tilespmem:s0], [sflag:$0x1] =	stream.indirect_vreg.gather [hbm4b:s3+s2], $0x80, v4, vm0, $0xb8;
	[tilespmem:$0x18080] =	vst v63  }
0x46: {  	s9 =	rddreg [dreg:$0xb];
	v3 =	vadd.s32 v1, v3  }
0x47: {  	[tilespmem:s9], [sflag:$0x1] =	stream.indirect_vreg.gather [hbm4b:s4+s2], $0x80, v4, vm0, $0xb8;
	[tilespmem:$0x18080] =	vst v63  }
0x48: {  	s0 =	rddreg [dreg:$0xc]  }
0x49: {  	[tilespmem:s0], [sflag:$0x1] =	stream.indirect_vreg.gather [hbm4b:s5+s2], $0x80, v4, vm0, $0xb8;
	[tilespmem:$0x18080] =	vst v63  }
0x4a: {  	s9 =	rddreg [dreg:$0xd]  }
0x4b: {  	[tilespmem:s9], [sflag:$0x1] =	stream.indirect_vreg.gather [hbm4b:s3+s2], $0x80, v3, vm0, $0xb8;
	[tilespmem:$0x18080] =	vst v63  }
0x4c: {  	s0 =	rddreg [dreg:$0xe]  }
0x4d: {  	[tilespmem:s0], [sflag:$0x1] =	stream.indirect_vreg.gather [hbm4b:s4+s2], $0x80, v3, vm0, $0xb8;
	[tilespmem:$0x18080] =	vst v63  }
0x4e: {  	s9 =	rddreg [dreg:$0xf]  }
0x4f: {  	[tilespmem:s9], [sflag:$0x1] =	stream.indirect_vreg.gather [hbm4b:s5+s2], $0x80, v3, vm0, $0xb8;
	[tilespmem:$0x18080] =	vst v63  }
0x50: {  	v3 =	vld [tilespmem:$0x20];
	_ =	sdelay $0x4  }
0x51: {  	v58 =	vshrl.u32 v3, $0x3  }
0x52: {  	v4 =	vmul.u32 $0x30, v58  }
0x53: {  	v3 =	vand.u32 $0x7, v3  }
0x54: {  	v3 =	vor.u32 v3, v4  }
0x55: {  	v4 =	vperm.xlane v3, v0;
	_ =	sdelay $0x1  }
0x56: {  	v4 =	vadd.s32 v1, v4;
	_ =	sdelay $0x3  }
0x57: {  	s0 =	rddreg [dreg:$0x10];
	v3 =	vperm.xlane v3, v2  }
0x58: {  	[tilespmem:s0], [sflag:$0x1] =	stream.indirect_vreg.gather [hbm4b:s3+s2], $0x80, v4, vm0, $0xb8;
	[tilespmem:$0x18080] =	vst v63  }
0x59: {  	s9 =	rddreg [dreg:$0x11];
	v3 =	vadd.s32 v1, v3  }
0x5a: {  	[tilespmem:s9], [sflag:$0x1] =	stream.indirect_vreg.gather [hbm4b:s4+s2], $0x80, v4, vm0, $0xb8;
	[tilespmem:$0x18080] =	vst v63  }
0x5b: {  	s0 =	rddreg [dreg:$0x12]  }
0x5c: {  	[tilespmem:s0], [sflag:$0x1] =	stream.indirect_vreg.gather [hbm4b:s5+s2], $0x80, v4, vm0, $0xb8;
	[tilespmem:$0x18080] =	vst v63  }
0x5d: {  	s9 =	rddreg [dreg:$0x13]  }
0x5e: {  	[tilespmem:s9], [sflag:$0x1] =	stream.indirect_vreg.gather [hbm4b:s3+s2], $0x80, v3, vm0, $0xb8;
	[tilespmem:$0x18080] =	vst v63  }
0x5f: {  	s0 =	rddreg [dreg:$0x14]  }
0x60: {  	[tilespmem:s0], [sflag:$0x1] =	stream.indirect_vreg.gather [hbm4b:s4+s2], $0x80, v3, vm0, $0xb8;
	[tilespmem:$0x18080] =	vst v63  }
0x61: {  	s9 =	rddreg [dreg:$0x15]  }
0x62: {  	[tilespmem:s9], [sflag:$0x1] =	stream.indirect_vreg.gather [hbm4b:s5+s2], $0x80, v3, vm0, $0xb8;
	[tilespmem:$0x18080] =	vst v63  }
0x63: {  	v3 =	vld [tilespmem:$0x30];
	_ =	sdelay $0x4  }
0x64: {  	v59 =	vshrl.u32 v3, $0x3  }
0x65: {  	v4 =	vmul.u32 $0x30, v59  }
0x66: {  	v3 =	vand.u32 $0x7, v3  }
0x67: {  	v3 =	vor.u32 v3, v4  }
0x68: {  	v4 =	vperm.xlane v3, v0;
	_ =	sdelay $0x1  }
0x69: {  	v4 =	vadd.s32 v1, v4;
	_ =	sdelay $0x3  }
0x6a: {  	s0 =	rddreg [dreg:$0x16];
	v3 =	vperm.xlane v3, v2  }
0x6b: {  	[tilespmem:s0], [sflag:$0x1] =	stream.indirect_vreg.gather [hbm4b:s3+s2], $0x80, v4, vm0, $0xb8;
	[tilespmem:$0x18080] =	vst v63  }
0x6c: {  	s9 =	rddreg [dreg:$0x17];
	v3 =	vadd.s32 v1, v3  }
0x6d: {  	[tilespmem:s9], [sflag:$0x1] =	stream.indirect_vreg.gather [hbm4b:s4+s2], $0x80, v4, vm0, $0xb8;
	[tilespmem:$0x18080] =	vst v63  }
0x6e: {  	s0 =	rddreg [dreg:$0x18]  }
0x6f: {  	[tilespmem:s0], [sflag:$0x1] =	stream.indirect_vreg.gather [hbm4b:s5+s2], $0x80, v4, vm0, $0xb8;
	[tilespmem:$0x18080] =	vst v63  }
0x70: {  	s9 =	rddreg [dreg:$0x19]  }
0x71: {  	[tilespmem:s9], [sflag:$0x1] =	stream.indirect_vreg.gather [hbm4b:s3+s2], $0x80, v3, vm0, $0xb8;
	[tilespmem:$0x18080] =	vst v63  }
0x72: {  	s0 =	rddreg [dreg:$0x1a]  }
0x73: {  	[tilespmem:s0], [sflag:$0x1] =	stream.indirect_vreg.gather [hbm4b:s4+s2], $0x80, v3, vm0, $0xb8;
	[tilespmem:$0x18080] =	vst v63  }
0x74: {  	s9 =	rddreg [dreg:$0x1b]  }
0x75: {  	[tilespmem:s9], [sflag:$0x1] =	stream.indirect_vreg.gather [hbm4b:s5+s2], $0x80, v3, vm0, $0xb8;
	[tilespmem:$0x18080] =	vst v63  }
0x76: {  	v3 =	vld [tilespmem:$0x40];
	_ =	sdelay $0x4  }
0x77: {  	v60 =	vshrl.u32 v3, $0x3  }
0x78: {  	v4 =	vmul.u32 $0x30, v60  }
0x79: {  	v3 =	vand.u32 $0x7, v3  }
0x7a: {  	v3 =	vor.u32 v3, v4  }
0x7b: {  	v4 =	vperm.xlane v3, v0;
	_ =	sdelay $0x1  }
0x7c: {  	v4 =	vadd.s32 v1, v4;
	_ =	sdelay $0x3  }
0x7d: {  	s0 =	rddreg [dreg:$0x1c];
	v3 =	vperm.xlane v3, v2  }
0x7e: {  	[tilespmem:s0], [sflag:$0x1] =	stream.indirect_vreg.gather [hbm4b:s3+s2], $0x80, v4, vm0, $0xb8;
	[tilespmem:$0x18080] =	vst v63  }
0x7f: {  	s9 =	rddreg [dreg:$0x1d];
	v3 =	vadd.s32 v1, v3  }
0x80: {  	[tilespmem:s9], [sflag:$0x1] =	stream.indirect_vreg.gather [hbm4b:s4+s2], $0x80, v4, vm0, $0xb8;
	[tilespmem:$0x18080] =	vst v63  }
0x81: {  	s9 =	simm.s32 $0xD080  }
0x82: {  	[tilespmem:s9], [sflag:$0x1] =	stream.indirect_vreg.gather [hbm4b:s5+s2], $0x80, v4, vm0, $0xb8;
	[tilespmem:$0x18080] =	vst v63  }
0x83: {  	_ = 	snop  }
0x84: {  	[tilespmem:s10], [sflag:$0x1] =	stream.indirect_vreg.gather [hbm4b:s3+s2], $0x80, v3, vm0, $0xb8;
	[tilespmem:$0x18080] =	vst v63  }
0x85: {  	_ = 	snop  }
0x86: {  	[tilespmem:s11], [sflag:$0x1] =	stream.indirect_vreg.gather [hbm4b:s4+s2], $0x80, v3, vm0, $0xb8;
	[tilespmem:$0x18080] =	vst v63  }
0x87: {  	_ = 	snop  }
0x88: {  	[tilespmem:s12], [sflag:$0x1] =	stream.indirect_vreg.gather [hbm4b:s5+s2], $0x80, v3, vm0, $0xb8;
	[tilespmem:$0x18080] =	vst v63  }
0x89: {  	v3 =	vld [tilespmem:$0x50];
	_ =	sdelay $0x4  }
0x8a: {  	v61 =	vshrl.u32 v3, $0x3  }
0x8b: {  	v4 =	vmul.u32 $0x30, v61  }
0x8c: {  	v3 =	vand.u32 $0x7, v3  }
0x8d: {  	v3 =	vor.u32 v3, v4  }
0x8e: {  	v4 =	vperm.xlane v3, v0;
	_ =	sdelay $0x1  }
0x8f: {  	v4 =	vadd.s32 v1, v4;
	_ =	sdelay $0x3  }
0x90: {  	v3 =	vperm.xlane v3, v2  }
0x91: {  	[tilespmem:s13], [sflag:$0x1] =	stream.indirect_vreg.gather [hbm4b:s3+s2], $0x80, v4, vm0, $0xb8;
	[tilespmem:$0x18080] =	vst v63  }
0x92: {  	v3 =	vadd.s32 v1, v3  }
0x93: {  	[tilespmem:s14], [sflag:$0x1] =	stream.indirect_vreg.gather [hbm4b:s4+s2], $0x80, v4, vm0, $0xb8;
	[tilespmem:$0x18080] =	vst v63  }
0x94: {  	_ = 	snop  }
0x95: {  	[tilespmem:s15], [sflag:$0x1] =	stream.indirect_vreg.gather [hbm4b:s5+s2], $0x80, v4, vm0, $0xb8;
	[tilespmem:$0x18080] =	vst v63  }
0x96: {  	_ = 	snop  }
0x97: {  	[tilespmem:s16], [sflag:$0x1] =	stream.indirect_vreg.gather [hbm4b:s3+s2], $0x80, v3, vm0, $0xb8;
	[tilespmem:$0x18080] =	vst v63  }
0x98: {  	_ = 	snop  }
0x99: {  	[tilespmem:s17], [sflag:$0x1] =	stream.indirect_vreg.gather [hbm4b:s4+s2], $0x80, v3, vm0, $0xb8;
	[tilespmem:$0x18080] =	vst v63  }
0x9a: {  	_ = 	snop  }
0x9b: {  	[tilespmem:s18], [sflag:$0x1] =	stream.indirect_vreg.gather [hbm4b:s5+s2], $0x80, v3, vm0, $0xb8;
	[tilespmem:$0x18080] =	vst v63  }
0x9c: {  	v3 =	vld [tilespmem:$0x60];
	_ =	sdelay $0x4  }
0x9d: {  	v62 =	vshrl.u32 v3, $0x3  }
0x9e: {  	v4 =	vmul.u32 $0x30, v62  }
0x9f: {  	v3 =	vand.u32 $0x7, v3  }
0xa0: {  	v3 =	vor.u32 v3, v4  }
0xa1: {  	v4 =	vperm.xlane v3, v0;
	_ =	sdelay $0x1  }
0xa2: {  	v4 =	vadd.s32 v1, v4;
	_ =	sdelay $0x3  }
0xa3: {  	v3 =	vperm.xlane v3, v2  }
0xa4: {  	[tilespmem:s19], [sflag:$0x1] =	stream.indirect_vreg.gather [hbm4b:s3+s2], $0x80, v4, vm0, $0xb8;
	[tilespmem:$0x18080] =	vst v63  }
0xa5: {  	v3 =	vadd.s32 v1, v3  }
0xa6: {  	[tilespmem:s20], [sflag:$0x1] =	stream.indirect_vreg.gather [hbm4b:s4+s2], $0x80, v4, vm0, $0xb8;
	[tilespmem:$0x18080] =	vst v63  }
0xa7: {  	_ = 	snop  }
0xa8: {  	[tilespmem:s21], [sflag:$0x1] =	stream.indirect_vreg.gather [hbm4b:s5+s2], $0x80, v4, vm0, $0xb8;
	[tilespmem:$0x18080] =	vst v63  }
0xa9: {  	_ = 	snop  }
0xaa: {  	[tilespmem:s22], [sflag:$0x1] =	stream.indirect_vreg.gather [hbm4b:s3+s2], $0x80, v3, vm0, $0xb8;
	[tilespmem:$0x18080] =	vst v63  }
0xab: {  	_ = 	snop  }
0xac: {  	[tilespmem:s23], [sflag:$0x1] =	stream.indirect_vreg.gather [hbm4b:s4+s2], $0x80, v3, vm0, $0xb8;
	[tilespmem:$0x18080] =	vst v63  }
0xad: {  	_ = 	snop  }
0xae: {  	[tilespmem:s24], [sflag:$0x1] =	stream.indirect_vreg.gather [hbm4b:s5+s2], $0x80, v3, vm0, $0xb8;
	[tilespmem:$0x18080] =	vst v63  }
0xaf: {  	v3 =	vld [tilespmem:$0x70];
	_ =	sdelay $0x4  }
0xb0: {  	v63 =	vshrl.u32 v3, $0x3  }
0xb1: {  	v4 =	vmul.u32 $0x30, v63  }
0xb2: {  	v3 =	vand.u32 $0x7, v3  }
0xb3: {  	v3 =	vor.u32 v3, v4  }
0xb4: {  	v4 =	vperm.xlane v3, v0;
	_ =	sdelay $0x1  }
0xb5: {  	v4 =	vadd.s32 v1, v4;
	_ =	sdelay $0x3  }
0xb6: {  	v3 =	vperm.xlane v3, v2  }
0xb7: {  	[tilespmem:s25], [sflag:$0x1] =	stream.indirect_vreg.gather [hbm4b:s3+s2], $0x80, v4, vm0, $0xb8;
	[tilespmem:$0x18080] =	vst v63  }
0xb8: {  	v3 =	vadd.s32 v1, v3  }
0xb9: {  	[tilespmem:s26], [sflag:$0x1] =	stream.indirect_vreg.gather [hbm4b:s4+s2], $0x80, v4, vm0, $0xb8;
	[tilespmem:$0x18080] =	vst v63  }
0xba: {  	_ = 	snop  }
0xbb: {  	[tilespmem:s28], [sflag:$0x1] =	stream.indirect_vreg.gather [hbm4b:s5+s2], $0x80, v4, vm0, $0xb8;
	[tilespmem:$0x18080] =	vst v63  }
0xbc: {  	_ = 	snop  }
0xbd: {  	[tilespmem:s29], [sflag:$0x1] =	stream.indirect_vreg.gather [hbm4b:s3+s2], $0x80, v3, vm0, $0xb8;
	[tilespmem:$0x18080] =	vst v63  }
0xbe: {  	_ = 	snop  }
0xbf: {  	[tilespmem:s30], [sflag:$0x1] =	stream.indirect_vreg.gather [hbm4b:s4+s2], $0x80, v3, vm0, $0xb8;
	[tilespmem:$0x18080] =	vst v63  }
0xc0: {  	_ = 	snop  }
0xc1: {  	[tilespmem:s31], [sflag:$0x1] =	stream.indirect_vreg.gather [hbm4b:s5+s2], $0x80, v3, vm0, $0xb8;
	[tilespmem:$0x18080] =	vst v63  }
0xc2: {  	_ =	swait.ge [sflag:s1], $0x18000  }
0xc3: {  	p0 =	sne.s32 s6, $0x1;
	[sflag:s1] =	ssyncset.done $0x0  }
.Ltmp0:
0xc4: {  	s9 =	rddreg [dreg:$0x4];
	[sflag:s1] =	ssyncadd.s32 $0xFFFE8000;
	(pc) =	sbr.rel @p0 .LBB2_1-.Ltmp0, $4  }
0xc5: {  	[hbm4b:s9+s2] =	stream.linear.scatter [tilespmem:s8], [sflag:$0x2], $0x18000, $0x38;
	[tilespmem:$0x18080] =	vst v63  }
0xc6: {  	_ =	swait.ge [sflag:s7], $0x18000  }
0xc7: {  	[sflag:s7] =	ssyncset.done $0x0  }
0xc8: {  	s6 =	sadd.s32 $0xFFFFFFFF, s6;
	[sflag:s7] =	ssyncadd.s32 $0xFFFE8000  }
0xc9: {  	_ =	sfence.sel $0x180000  }
0xca: {  	[bflag:$0x0] =	sbarrier.arrive $0xFFFF  }
0xcb: {  	_ =	strace $0x9000004A  }
0xcc: {  	s0 =	stileid.u32;
	[bflag:$0x2] =	sbarrier.arrive $0xFFFF  }
0xcd: {  	p0 =	sne.s32 s0, $0x0;
	s0 =	rddreg [dreg:$0x2]  }
0xce: {  	s0 =	sadd.s32 @!p0 $0x100000, s0  }
0xcf: {  	[sflag:s0] =	ssyncadd.tile.s32 @!p0 $0x1;
	_ =	shalt  }
.Lfunc_end2:
_tile_overlayer_lowered:
.L_overlay_start_2:
0xd0: {  	(tag) =	ssettag $0x2  }
0xd1: {  	s0 =	rddreg [dreg:$0x0];
	s2 =	stileid.u32  }
0xd2: {  	s1 =	rddreg [dreg:$0x1];
	p0 =	sne.s32 s2, $0x0  }
0xd3: {  	s3 =	rddreg [dreg:$0x2];
	[bflag:$0x3] =	sbarrier.arrive $0xFFFF;
	s2 =	simm.s32 @!p0 $0x1C02  }
0xd4: {  	[timem:s3], [sflag:s2] =	dma.local @!p0 [hbm:s0], s1  }
0xd5: {  	s0 =	simm.s32 @!p0 $0x2  }
0xd6: {  	_ =	swait.ge @!p0 [sflag:s0], s1  }
0xd7: {  	s1 =	ssub.s32 @!p0 $0x0, s1;
	[sflag:s0] =	ssyncset.done @!p0 $0x0  }
0xd8: {  	[sflag:s0] =	ssyncadd.s32 @!p0 s1  }
0xd9: {  	[bflag:$0x3] =	sbarrier.arrive $0xFFFF  }
0xda: {  	_ =	shalt  }

</sc_bundles>
